<compile_context>
chip_gen: v7x
topology: tpu7x:2x2x1
jax: 0.10.2.dev20260603
libtpu: 0.0.44.dev20260713+nightly
codegen_flags: <defaults>
</compile_context>

<pallas_src>
import functools

import jax
import jax.numpy as jnp
from jax.experimental import pallas as pl
from jax.experimental.pallas import tpu as pltpu
from jax.experimental.pallas import tpu_sc as plsc

N = 4096
D = 768
E = 16
K = 2
T = 256
R = 12288
NT = R // T
TB = 512

NC, NS = 2, 16
NW = NC * NS
CH = 128


def _router_body(x_ref, rw_ref, g_ref, i_ref):
    logits = jnp.dot(x_ref[...], rw_ref[...], preferred_element_type=jnp.float32)
    iota = jax.lax.broadcasted_iota(jnp.int32, logits.shape, 1)
    m1 = jnp.max(logits, axis=1, keepdims=True)
    i1 = jnp.min(jnp.where(logits == m1, iota, E), axis=1, keepdims=True)
    masked = jnp.where(iota == i1, jnp.finfo(jnp.float32).min, logits)
    m2 = jnp.max(masked, axis=1, keepdims=True)
    i2 = jnp.min(jnp.where(masked == m2, iota, E), axis=1, keepdims=True)
    e2 = jnp.exp(m2 - m1)
    g1 = 1.0 / (1.0 + e2)
    g_ref[...] = jnp.concatenate([g1, 1.0 - g1], axis=1)
    i_ref[...] = jnp.concatenate([i1, i2], axis=1).astype(jnp.int32)


def _router(x_flat, router_w):
    return pl.pallas_call(
        _router_body,
        grid=(N // TB,),
        in_specs=[
            pl.BlockSpec((TB, D), lambda i: (i, 0)),
            pl.BlockSpec((D, E), lambda i: (0, 0)),
        ],
        out_specs=[
            pl.BlockSpec((TB, K), lambda i: (i, 0)),
            pl.BlockSpec((TB, K), lambda i: (i, 0)),
        ],
        out_shape=[
            jax.ShapeDtypeStruct((N, K), jnp.float32),
            jax.ShapeDtypeStruct((N, K), jnp.int32),
        ],
    )(x_flat, router_w)


def _dispatch_indices(eidx):
    ef = eidx.reshape(-1)
    oh = (ef[:, None] == jnp.arange(E, dtype=jnp.int32)[None, :]).astype(jnp.int32)
    cum = jnp.cumsum(oh, axis=0)
    rank = jnp.sum(oh * cum, axis=1) - 1
    counts = cum[-1]
    padded = ((counts + T - 1) // T) * T
    offsets = jnp.concatenate(
        [jnp.zeros(1, jnp.int32), jnp.cumsum(padded)[:-1].astype(jnp.int32)])
    pos = jnp.sum(oh * offsets[None, :], axis=1) + rank
    tile_start = (jnp.arange(NT, dtype=jnp.int32) * T)[:, None]
    tile_expert = (jnp.sum(offsets[None, :] <= tile_start, axis=1) - 1).astype(jnp.int32)
    return tile_expert, pos


def _sc_dispatch(x_flat, idx0, idx1):
    b_per_w = N // NW
    mesh = plsc.VectorSubcoreMesh(core_axis_name="c", subcore_axis_name="s")

    @functools.partial(
        pl.kernel,
        out_type=jax.ShapeDtypeStruct((R, D), x_flat.dtype),
        mesh=mesh,
        scratch_types=[
            pltpu.VMEM((1, CH), jnp.int32),
            pltpu.VMEM((CH, D), x_flat.dtype),
            pltpu.SemaphoreType.DMA,
        ],
    )
    def sk(x_hbm, i0_hbm, i1_hbm, out_hbm, idx_v, rows_v, sem):
        wid = jax.lax.axis_index("s") * NC + jax.lax.axis_index("c")
        base = wid * b_per_w

        @pl.loop(0, b_per_w, step=CH)
        def _(off):
            pltpu.sync_copy(x_hbm.at[pl.ds(base + off, CH)], rows_v)
            pltpu.sync_copy(i0_hbm.at[pl.ds(0, 1), pl.ds(base + off, CH)], idx_v)
            pltpu.async_copy(rows_v, out_hbm.at[idx_v.at[0]], sem).wait()
            pltpu.sync_copy(i1_hbm.at[pl.ds(0, 1), pl.ds(base + off, CH)], idx_v)
            pltpu.async_copy(rows_v, out_hbm.at[idx_v.at[0]], sem).wait()

    return sk(x_flat, idx0.reshape(1, N), idx1.reshape(1, N))


def _sc_gather2(table, idx0, idx1):
    b_per_w = N // NW
    mesh = plsc.VectorSubcoreMesh(core_axis_name="c", subcore_axis_name="s")

    @functools.partial(
        pl.kernel,
        out_type=[
            jax.ShapeDtypeStruct((N, D), table.dtype),
            jax.ShapeDtypeStruct((N, D), table.dtype),
        ],
        mesh=mesh,
        scratch_types=[
            pltpu.VMEM((CH,), jnp.int32),
            pltpu.VMEM((CH, D), table.dtype),
            pltpu.SemaphoreType.DMA,
        ],
    )
    def gk(table_hbm, i0_hbm, i1_hbm, o0_hbm, o1_hbm, idx_v, rows_v, sem):
        wid = jax.lax.axis_index("s") * NC + jax.lax.axis_index("c")
        base = wid * b_per_w

        @pl.loop(0, b_per_w, step=CH)
        def _(off):
            pltpu.sync_copy(i0_hbm.at[pl.ds(base + off, CH)], idx_v)
            pltpu.async_copy(table_hbm.at[idx_v], rows_v, sem).wait()
            pltpu.sync_copy(rows_v, o0_hbm.at[pl.ds(base + off, CH)])
            pltpu.sync_copy(i1_hbm.at[pl.ds(base + off, CH)], idx_v)
            pltpu.async_copy(table_hbm.at[idx_v], rows_v, sem).wait()
            pltpu.sync_copy(rows_v, o1_hbm.at[pl.ds(base + off, CH)])

    return gk(table, idx0, idx1)


def _mm_body(te_ref, xs_ref, w_ref, b_ref, o_ref):
    acc = jax.lax.dot_general(
        xs_ref[...], w_ref[0], (((1,), (1,)), ((), ())),
        preferred_element_type=jnp.float32)
    o_ref[...] = acc + b_ref[0]


def _grouped_mm(xs, tile_expert, expert_w, expert_b):
    grid_spec = pltpu.PrefetchScalarGridSpec(
        num_scalar_prefetch=1,
        grid=(NT,),
        in_specs=[
            pl.BlockSpec((T, D), lambda i, te: (i, 0)),
            pl.BlockSpec((1, D, D), lambda i, te: (te[i], 0, 0)),
            pl.BlockSpec((1, 1, D), lambda i, te: (te[i], 0, 0)),
        ],
        out_specs=pl.BlockSpec((T, D), lambda i, te: (i, 0)),
    )
    return pl.pallas_call(
        _mm_body,
        grid_spec=grid_spec,
        out_shape=jax.ShapeDtypeStruct((R, D), jnp.float32),
    )(tile_expert, xs, expert_w.astype(jnp.bfloat16), expert_b.reshape(E, 1, D))


def _comb_body(y0_ref, y1_ref, g_ref, o_ref):
    g = g_ref[...]
    o_ref[...] = y0_ref[...] * g[:, 0:1] + y1_ref[...] * g[:, 1:2]


def _combine(y0, y1, gates):
    return pl.pallas_call(
        _comb_body,
        grid=(N // TB,),
        in_specs=[
            pl.BlockSpec((TB, D), lambda i: (i, 0)),
            pl.BlockSpec((TB, D), lambda i: (i, 0)),
            pl.BlockSpec((TB, K), lambda i: (i, 0)),
        ],
        out_specs=pl.BlockSpec((TB, D), lambda i: (i, 0)),
        out_shape=jax.ShapeDtypeStruct((N, D), jnp.float32),
    )(y0, y1, gates)


def kernel(x, router_w, expert_w, expert_b):
    b, s, d = x.shape
    x_flat = x.reshape(N, D)
    gates, eidx = _router(x_flat, router_w)
    tile_expert, pos = _dispatch_indices(eidx)
    pos2 = pos.reshape(N, K)
    xs = _sc_dispatch(x_flat, pos2[:, 0], pos2[:, 1])
    ys = _grouped_mm(xs, tile_expert, expert_w, expert_b)
    y0, y1 = _sc_gather2(ys, pos2[:, 0], pos2[:, 1])
    out = _combine(y0, y1, gates)
    return out.reshape(b, s, D)

# --- scband reference (transcript-rebuilt; emitter-appended) ---
"""Pipeline reference for scband-mo-elayer-81114752352735 (READ-ONLY COPY).

The authoritative reference and input builder live on the scoring server;
editing this copy changes nothing except your own understanding.
"""

import jax, jax.numpy as jnp
import numpy as np

B, S, D_IN, D_OUT = 2, 2048, 768, 768
E, TOPK = 16, 2


def setup_inputs(seed: int = 0) -> dict:
    key = jax.random.key(seed)
    k1, k2, k3, k4 = jax.random.split(key, 4)
    x = jax.random.normal(k1, (B, S, D_IN), dtype=jnp.float32)
    router_w = jax.random.normal(k2, (D_IN, E), dtype=jnp.float32) / np.sqrt(D_IN)
    lim = 1.0 / np.sqrt(D_IN)
    expert_w = jax.random.uniform(k3, (E, D_OUT, D_IN), dtype=jnp.float32, minval=-lim, maxval=lim)
    expert_b = jax.random.uniform(k4, (E, D_OUT), dtype=jnp.float32, minval=-lim, maxval=lim)
    return {"x": x, "router_w": router_w, "expert_w": expert_w, "expert_b": expert_b}


def reference(x, router_w, expert_w, expert_b):
    b, s, d = x.shape
    n = b * s
    # Router (noisy_gating=False): logits = x @ W, softmax, top-k, renormalize
    logits = x @ router_w                      # [B, S, E]
    gates = jax.nn.softmax(logits, axis=-1)    # [B, S, E]
    top_g, top_i = jax.lax.top_k(gates, TOPK)  # [B, S, K]
    top_g = top_g / jnp.sum(top_g, axis=-1, keepdims=True)
    x_flat = x.reshape(n, d)                   # [N, D]
    gi = top_g.reshape(n, TOPK)                # [N, K]
    ii = top_i.reshape(n, TOPK)                # [N, K]
    # Combined per-expert gate per token (sum of top-k slot gates routed to that expert)
    onehot = jax.nn.one_hot(ii, E, dtype=x.dtype)      # [N, K, E]
    comb = jnp.sum(onehot * gi[..., None], axis=1)     # [N, E]
    # Expert computation (Expert = Linear + Identity activation, dropout=0):
    # output[t] = sum_e comb[t, e] * (x[t] @ W_e^T + b_e)  -- identical math to the
    # masked per-expert loop in the torch forward.
    out = jnp.zeros((n, D_OUT), dtype=x.dtype)
    for e in range(E):
        eo = x_flat @ expert_w[e].T + expert_b[e]      # [N, D_OUT]
        out = out + comb[:, e:e + 1] * eo
    return out.reshape(b, s, D_OUT)

if __name__ == "__main__":
    import jax
    _d = setup_inputs()
    print(jax.jit(kernel)(*tuple(_d.values())))

</pallas_src>

<mosaic_0001>
#map = affine_map<(d0, d1) -> (0, 0)>
module attributes {stable_mosaic.version = 14 : i64} {
  func.func @sk(%arg0: i32, %arg1: i32, %arg2: memref<4096x768xf32, #tpu.memory_space<hbm>>, %arg3: memref<1x4096xi32, #tpu.memory_space<hbm>>, %arg4: memref<1x4096xi32, #tpu.memory_space<hbm>>, %arg5: memref<12288x768xf32, #tpu.memory_space<hbm>>, %arg6: memref<1x128xi32, #tpu.memory_space<vmem>>, %arg7: memref<128x768xf32, #tpu.memory_space<vmem>>, %arg8: memref<!tpu.dma_semaphore, #tpu.memory_space<semaphore_mem>>) attributes {dimension_semantics = [#tpu.dimension_semantics<core_parallel>, #tpu.dimension_semantics<subcore_parallel>], iteration_bounds = array<i64: 2, 16>, scalar_prefetch = 0 : i64, scratch_operands = 3 : i64, tpu.core_type = #tpu.core_type<sc_vector_subcore>, window_params = [{transform_indices = #map}, {transform_indices = #map}, {transform_indices = #map}, {transform_indices = #map}]} {
    %mul3A = arith.constant 2 : i32
    %mul3A_0 = arith.muli %arg1, %mul3A : i32
    %add3A = arith.addi %mul3A_0, %arg0 : i32
    %mul3A_1 = arith.constant 128 : i32
    %mul3A_2 = arith.muli %add3A, %mul3A_1 : i32
    %scan3A = arith.constant 0 : i32
    %mul3A_3 = arith.constant 128 : i32
    %mul3A_4 = arith.muli %scan3A, %mul3A_3 : i32
    %add3A_5 = arith.constant 0 : i32
    %add3A_6 = arith.addi %add3A_5, %mul3A_4 : i32
    %add3A_7 = arith.addi %mul3A_2, %add3A_6 : i32
    "tpu.region"() ({
      %run_scoped3A = tpu.sem_alloc : memref<!tpu.dma_semaphore, #tpu.memory_space<semaphore_mem>>
      %dma_start3A_37 = arith.constant 0 : i32
      %dma_start3A_38 = tpu.memref_slice %arg2[%add3A_7, %dma_start3A_37] : memref<4096x768xf32, #tpu.memory_space<hbm>> -> memref<128x768xf32, #tpu.memory_space<hbm>>
      %dma_start3A_39 = arith.constant 0 : i32
      %dma_start3A_40 = tpu.memref_slice %arg2[%add3A_7, %dma_start3A_39] : memref<4096x768xf32, #tpu.memory_space<hbm>> -> memref<128x768xf32, #tpu.memory_space<hbm>>
      tpu.enqueue_dma source(%dma_start3A_40 : memref<128x768xf32, #tpu.memory_space<hbm>>) target(%arg7 : memref<128x768xf32, #tpu.memory_space<vmem>>) target_semaphore(%run_scoped3A : memref<!tpu.dma_semaphore, #tpu.memory_space<semaphore_mem>>)
      %dma_wait3A_41 = arith.constant 0 : i32
      %dma_wait3A_42 = tpu.memref_slice %arg2[%add3A_7, %dma_wait3A_41] : memref<4096x768xf32, #tpu.memory_space<hbm>> -> memref<128x768xf32, #tpu.memory_space<hbm>>
      %dma_wait3A_43 = arith.constant 0 : i32
      %dma_wait3A_44 = tpu.memref_slice %arg2[%add3A_7, %dma_wait3A_43] : memref<4096x768xf32, #tpu.memory_space<hbm>> -> memref<128x768xf32, #tpu.memory_space<hbm>>
      tpu.wait_dma2 semaphore(%run_scoped3A : memref<!tpu.dma_semaphore, #tpu.memory_space<semaphore_mem>>) src(%dma_wait3A_44 : memref<128x768xf32, #tpu.memory_space<hbm>>) dst(%arg7 : memref<128x768xf32, #tpu.memory_space<vmem>>)
      tpu.yield
    }) : () -> ()
    %add3A_8 = arith.addi %mul3A_2, %add3A_6 : i32
    "tpu.region"() ({
      %run_scoped3A = tpu.sem_alloc : memref<!tpu.dma_semaphore, #tpu.memory_space<semaphore_mem>>
      %dma_start3A_37 = arith.constant 0 : i32
      %dma_start3A_38 = tpu.memref_slice %arg3[%dma_start3A_37, %add3A_8] : memref<1x4096xi32, #tpu.memory_space<hbm>> -> memref<1x128xi32, #tpu.memory_space<hbm>>
      %dma_start3A_39 = arith.constant 0 : i32
      %dma_start3A_40 = tpu.memref_slice %arg3[%dma_start3A_39, %add3A_8] : memref<1x4096xi32, #tpu.memory_space<hbm>> -> memref<1x128xi32, #tpu.memory_space<hbm>>
      tpu.enqueue_dma source(%dma_start3A_40 : memref<1x128xi32, #tpu.memory_space<hbm>>) target(%arg6 : memref<1x128xi32, #tpu.memory_space<vmem>>) target_semaphore(%run_scoped3A : memref<!tpu.dma_semaphore, #tpu.memory_space<semaphore_mem>>)
      %dma_wait3A_41 = arith.constant 0 : i32
      %dma_wait3A_42 = tpu.memref_slice %arg3[%dma_wait3A_41, %add3A_8] : memref<1x4096xi32, #tpu.memory_space<hbm>> -> memref<1x128xi32, #tpu.memory_space<hbm>>
      %dma_wait3A_43 = arith.constant 0 : i32
      %dma_wait3A_44 = tpu.memref_slice %arg3[%dma_wait3A_43, %add3A_8] : memref<1x4096xi32, #tpu.memory_space<hbm>> -> memref<1x128xi32, #tpu.memory_space<hbm>>
      tpu.wait_dma2 semaphore(%run_scoped3A : memref<!tpu.dma_semaphore, #tpu.memory_space<semaphore_mem>>) src(%dma_wait3A_44 : memref<1x128xi32, #tpu.memory_space<hbm>>) dst(%arg6 : memref<1x128xi32, #tpu.memory_space<vmem>>)
      tpu.yield
    }) : () -> ()
    %dma_start3A = arith.constant 0 : i32
    %dma_start3A_9 = arith.constant 0 : i32
    %dma_start3A_10 = tpu.memref_slice %arg6[%dma_start3A, %dma_start3A_9] : memref<1x128xi32, #tpu.memory_space<vmem>> -> memref<1x128xi32, #tpu.memory_space<vmem>>
    %dma_start3A_11 = tpu.memref_squeeze %dma_start3A_10 : memref<1x128xi32, #tpu.memory_space<vmem>> -> memref<128xi32, #tpu.memory_space<vmem>>
    %dma_start3A_12 = arith.constant 0 : i32
    %dma_start3A_13 = arith.constant 0 : i32
    %dma_start3A_14 = tpu.memref_slice %arg5[%dma_start3A_12, %dma_start3A_13] : memref<12288x768xf32, #tpu.memory_space<hbm>> -> memref<12288x768xf32, #tpu.memory_space<hbm>>
    tpu.enqueue_indirect_dma source(%arg7 : memref<128x768xf32, #tpu.memory_space<vmem>>) target(%dma_start3A_14 : memref<12288x768xf32, #tpu.memory_space<hbm>>) offsets(%dma_start3A_11 : memref<128xi32, #tpu.memory_space<vmem>>) semaphore(%arg8 : memref<!tpu.dma_semaphore, #tpu.memory_space<semaphore_mem>>)
    %dma_wait3A = arith.constant 0 : i32
    %dma_wait3A_15 = arith.constant 0 : i32
    %dma_wait3A_16 = tpu.memref_slice %arg6[%dma_wait3A, %dma_wait3A_15] : memref<1x128xi32, #tpu.memory_space<vmem>> -> memref<1x128xi32, #tpu.memory_space<vmem>>
    %dma_wait3A_17 = tpu.memref_squeeze %dma_wait3A_16 : memref<1x128xi32, #tpu.memory_space<vmem>> -> memref<128xi32, #tpu.memory_space<vmem>>
    %dma_wait3A_18 = arith.constant 0 : i32
    %dma_wait3A_19 = arith.constant 0 : i32
    %dma_wait3A_20 = tpu.memref_slice %arg5[%dma_wait3A_18, %dma_wait3A_19] : memref<12288x768xf32, #tpu.memory_space<hbm>> -> memref<12288x768xf32, #tpu.memory_space<hbm>>
    tpu.wait_indirect_dma semaphore(%arg8 : memref<!tpu.dma_semaphore, #tpu.memory_space<semaphore_mem>>) src(%arg7 : memref<128x768xf32, #tpu.memory_space<vmem>>) dst(%dma_wait3A_20 : memref<12288x768xf32, #tpu.memory_space<hbm>>)
    %add3A_21 = arith.addi %mul3A_2, %add3A_6 : i32
    "tpu.region"() ({
      %run_scoped3A = tpu.sem_alloc : memref<!tpu.dma_semaphore, #tpu.memory_space<semaphore_mem>>
      %dma_start3A_37 = arith.constant 0 : i32
      %dma_start3A_38 = tpu.memref_slice %arg4[%dma_start3A_37, %add3A_21] : memref<1x4096xi32, #tpu.memory_space<hbm>> -> memref<1x128xi32, #tpu.memory_space<hbm>>
      %dma_start3A_39 = arith.constant 0 : i32
      %dma_start3A_40 = tpu.memref_slice %arg4[%dma_start3A_39, %add3A_21] : memref<1x4096xi32, #tpu.memory_space<hbm>> -> memref<1x128xi32, #tpu.memory_space<hbm>>
      tpu.enqueue_dma source(%dma_start3A_40 : memref<1x128xi32, #tpu.memory_space<hbm>>) target(%arg6 : memref<1x128xi32, #tpu.memory_space<vmem>>) target_semaphore(%run_scoped3A : memref<!tpu.dma_semaphore, #tpu.memory_space<semaphore_mem>>)
      %dma_wait3A_41 = arith.constant 0 : i32
      %dma_wait3A_42 = tpu.memref_slice %arg4[%dma_wait3A_41, %add3A_21] : memref<1x4096xi32, #tpu.memory_space<hbm>> -> memref<1x128xi32, #tpu.memory_space<hbm>>
      %dma_wait3A_43 = arith.constant 0 : i32
      %dma_wait3A_44 = tpu.memref_slice %arg4[%dma_wait3A_43, %add3A_21] : memref<1x4096xi32, #tpu.memory_space<hbm>> -> memref<1x128xi32, #tpu.memory_space<hbm>>
      tpu.wait_dma2 semaphore(%run_scoped3A : memref<!tpu.dma_semaphore, #tpu.memory_space<semaphore_mem>>) src(%dma_wait3A_44 : memref<1x128xi32, #tpu.memory_space<hbm>>) dst(%arg6 : memref<1x128xi32, #tpu.memory_space<vmem>>)
      tpu.yield
    }) : () -> ()
    %dma_start3A_22 = arith.constant 0 : i32
    %dma_start3A_23 = arith.constant 0 : i32
    %dma_start3A_24 = tpu.memref_slice %arg6[%dma_start3A_22, %dma_start3A_23] : memref<1x128xi32, #tpu.memory_space<vmem>> -> memref<1x128xi32, #tpu.memory_space<vmem>>
    %dma_start3A_25 = tpu.memref_squeeze %dma_start3A_24 : memref<1x128xi32, #tpu.memory_space<vmem>> -> memref<128xi32, #tpu.memory_space<vmem>>
    %dma_start3A_26 = arith.constant 0 : i32
    %dma_start3A_27 = arith.constant 0 : i32
    %dma_start3A_28 = tpu.memref_slice %arg5[%dma_start3A_26, %dma_start3A_27] : memref<12288x768xf32, #tpu.memory_space<hbm>> -> memref<12288x768xf32, #tpu.memory_space<hbm>>
    tpu.enqueue_indirect_dma source(%arg7 : memref<128x768xf32, #tpu.memory_space<vmem>>) target(%dma_start3A_28 : memref<12288x768xf32, #tpu.memory_space<hbm>>) offsets(%dma_start3A_25 : memref<128xi32, #tpu.memory_space<vmem>>) semaphore(%arg8 : memref<!tpu.dma_semaphore, #tpu.memory_space<semaphore_mem>>)
    %dma_wait3A_29 = arith.constant 0 : i32
    %dma_wait3A_30 = arith.constant 0 : i32
    %dma_wait3A_31 = tpu.memref_slice %arg6[%dma_wait3A_29, %dma_wait3A_30] : memref<1x128xi32, #tpu.memory_space<vmem>> -> memref<1x128xi32, #tpu.memory_space<vmem>>
    %dma_wait3A_32 = tpu.memref_squeeze %dma_wait3A_31 : memref<1x128xi32, #tpu.memory_space<vmem>> -> memref<128xi32, #tpu.memory_space<vmem>>
    %dma_wait3A_33 = arith.constant 0 : i32
    %dma_wait3A_34 = arith.constant 0 : i32
    %dma_wait3A_35 = tpu.memref_slice %arg5[%dma_wait3A_33, %dma_wait3A_34] : memref<12288x768xf32, #tpu.memory_space<hbm>> -> memref<12288x768xf32, #tpu.memory_space<hbm>>
    tpu.wait_indirect_dma semaphore(%arg8 : memref<!tpu.dma_semaphore, #tpu.memory_space<semaphore_mem>>) src(%arg7 : memref<128x768xf32, #tpu.memory_space<vmem>>) dst(%dma_wait3A_35 : memref<12288x768xf32, #tpu.memory_space<hbm>>)
    %scan3A_36 = arith.constant 1 : i32
    return
  }
}

#map = affine_map<(d0, d1) -> (0, 0)>
#map1 = affine_map<(d0, d1) -> (0)>
module attributes {stable_mosaic.version = 14 : i64} {
  func.func @gk(%arg0: i32, %arg1: i32, %arg2: memref<12288x768xf32, #tpu.memory_space<hbm>>, %arg3: memref<4096xi32, #tpu.memory_space<hbm>>, %arg4: memref<4096xi32, #tpu.memory_space<hbm>>, %arg5: memref<4096x768xf32, #tpu.memory_space<hbm>>, %arg6: memref<4096x768xf32, #tpu.memory_space<hbm>>, %arg7: memref<128xi32, #tpu.memory_space<vmem>>, %arg8: memref<128x768xf32, #tpu.memory_space<vmem>>, %arg9: memref<!tpu.dma_semaphore, #tpu.memory_space<semaphore_mem>>) attributes {dimension_semantics = [#tpu.dimension_semantics<core_parallel>, #tpu.dimension_semantics<subcore_parallel>], iteration_bounds = array<i64: 2, 16>, scalar_prefetch = 0 : i64, scratch_operands = 3 : i64, tpu.core_type = #tpu.core_type<sc_vector_subcore>, window_params = [{transform_indices = #map}, {transform_indices = #map1}, {transform_indices = #map1}, {transform_indices = #map}, {transform_indices = #map}]} {
    %mul3A = arith.constant 2 : i32
    %mul3A_0 = arith.muli %arg1, %mul3A : i32
    %add3A = arith.addi %mul3A_0, %arg0 : i32
    %mul3A_1 = arith.constant 128 : i32
    %mul3A_2 = arith.muli %add3A, %mul3A_1 : i32
    %scan3A = arith.constant 0 : i32
    %mul3A_3 = arith.constant 128 : i32
    %mul3A_4 = arith.muli %scan3A, %mul3A_3 : i32
    %add3A_5 = arith.constant 0 : i32
    %add3A_6 = arith.addi %add3A_5, %mul3A_4 : i32
    %add3A_7 = arith.addi %mul3A_2, %add3A_6 : i32
    "tpu.region"() ({
      %run_scoped3A = tpu.sem_alloc : memref<!tpu.dma_semaphore, #tpu.memory_space<semaphore_mem>>
      %dma_start3A_22 = tpu.memref_slice %arg3[%add3A_7] : memref<4096xi32, #tpu.memory_space<hbm>> -> memref<128xi32, #tpu.memory_space<hbm>>
      %dma_start3A_23 = tpu.memref_slice %arg3[%add3A_7] : memref<4096xi32, #tpu.memory_space<hbm>> -> memref<128xi32, #tpu.memory_space<hbm>>
      tpu.enqueue_dma source(%dma_start3A_23 : memref<128xi32, #tpu.memory_space<hbm>>) target(%arg7 : memref<128xi32, #tpu.memory_space<vmem>>) target_semaphore(%run_scoped3A : memref<!tpu.dma_semaphore, #tpu.memory_space<semaphore_mem>>)
      %dma_wait3A_24 = tpu.memref_slice %arg3[%add3A_7] : memref<4096xi32, #tpu.memory_space<hbm>> -> memref<128xi32, #tpu.memory_space<hbm>>
      %dma_wait3A_25 = tpu.memref_slice %arg3[%add3A_7] : memref<4096xi32, #tpu.memory_space<hbm>> -> memref<128xi32, #tpu.memory_space<hbm>>
      tpu.wait_dma2 semaphore(%run_scoped3A : memref<!tpu.dma_semaphore, #tpu.memory_space<semaphore_mem>>) src(%dma_wait3A_25 : memref<128xi32, #tpu.memory_space<hbm>>) dst(%arg7 : memref<128xi32, #tpu.memory_space<vmem>>)
      tpu.yield
    }) : () -> ()
    %dma_start3A = arith.constant 0 : i32
    %dma_start3A_8 = arith.constant 0 : i32
    %dma_start3A_9 = tpu.memref_slice %arg2[%dma_start3A, %dma_start3A_8] : memref<12288x768xf32, #tpu.memory_space<hbm>> -> memref<12288x768xf32, #tpu.memory_space<hbm>>
    tpu.enqueue_indirect_dma source(%dma_start3A_9 : memref<12288x768xf32, #tpu.memory_space<hbm>>) target(%arg8 : memref<128x768xf32, #tpu.memory_space<vmem>>) offsets(%arg7 : memref<128xi32, #tpu.memory_space<vmem>>) semaphore(%arg9 : memref<!tpu.dma_semaphore, #tpu.memory_space<semaphore_mem>>)
    %dma_wait3A = arith.constant 0 : i32
    %dma_wait3A_10 = arith.constant 0 : i32
    %dma_wait3A_11 = tpu.memref_slice %arg2[%dma_wait3A, %dma_wait3A_10] : memref<12288x768xf32, #tpu.memory_space<hbm>> -> memref<12288x768xf32, #tpu.memory_space<hbm>>
    tpu.wait_indirect_dma semaphore(%arg9 : memref<!tpu.dma_semaphore, #tpu.memory_space<semaphore_mem>>) src(%dma_wait3A_11 : memref<12288x768xf32, #tpu.memory_space<hbm>>) dst(%arg8 : memref<128x768xf32, #tpu.memory_space<vmem>>)
    %add3A_12 = arith.addi %mul3A_2, %add3A_6 : i32
    "tpu.region"() ({
      %run_scoped3A = tpu.sem_alloc : memref<!tpu.dma_semaphore, #tpu.memory_space<semaphore_mem>>
      %dma_start3A_22 = arith.constant 0 : i32
      %dma_start3A_23 = tpu.memref_slice %arg5[%add3A_12, %dma_start3A_22] : memref<4096x768xf32, #tpu.memory_space<hbm>> -> memref<128x768xf32, #tpu.memory_space<hbm>>
      %dma_start3A_24 = arith.constant 0 : i32
      %dma_start3A_25 = tpu.memref_slice %arg5[%add3A_12, %dma_start3A_24] : memref<4096x768xf32, #tpu.memory_space<hbm>> -> memref<128x768xf32, #tpu.memory_space<hbm>>
      tpu.enqueue_dma source(%arg8 : memref<128x768xf32, #tpu.memory_space<vmem>>) target(%dma_start3A_25 : memref<128x768xf32, #tpu.memory_space<hbm>>) target_semaphore(%run_scoped3A : memref<!tpu.dma_semaphore, #tpu.memory_space<semaphore_mem>>)
      %dma_wait3A_26 = arith.constant 0 : i32
      %dma_wait3A_27 = tpu.memref_slice %arg5[%add3A_12, %dma_wait3A_26] : memref<4096x768xf32, #tpu.memory_space<hbm>> -> memref<128x768xf32, #tpu.memory_space<hbm>>
      %dma_wait3A_28 = arith.constant 0 : i32
      %dma_wait3A_29 = tpu.memref_slice %arg5[%add3A_12, %dma_wait3A_28] : memref<4096x768xf32, #tpu.memory_space<hbm>> -> memref<128x768xf32, #tpu.memory_space<hbm>>
      tpu.wait_dma2 semaphore(%run_scoped3A : memref<!tpu.dma_semaphore, #tpu.memory_space<semaphore_mem>>) src(%arg8 : memref<128x768xf32, #tpu.memory_space<vmem>>) dst(%dma_wait3A_29 : memref<128x768xf32, #tpu.memory_space<hbm>>)
      tpu.yield
    }) : () -> ()
    %add3A_13 = arith.addi %mul3A_2, %add3A_6 : i32
    "tpu.region"() ({
      %run_scoped3A = tpu.sem_alloc : memref<!tpu.dma_semaphore, #tpu.memory_space<semaphore_mem>>
      %dma_start3A_22 = tpu.memref_slice %arg4[%add3A_13] : memref<4096xi32, #tpu.memory_space<hbm>> -> memref<128xi32, #tpu.memory_space<hbm>>
      %dma_start3A_23 = tpu.memref_slice %arg4[%add3A_13] : memref<4096xi32, #tpu.memory_space<hbm>> -> memref<128xi32, #tpu.memory_space<hbm>>
      tpu.enqueue_dma source(%dma_start3A_23 : memref<128xi32, #tpu.memory_space<hbm>>) target(%arg7 : memref<128xi32, #tpu.memory_space<vmem>>) target_semaphore(%run_scoped3A : memref<!tpu.dma_semaphore, #tpu.memory_space<semaphore_mem>>)
      %dma_wait3A_24 = tpu.memref_slice %arg4[%add3A_13] : memref<4096xi32, #tpu.memory_space<hbm>> -> memref<128xi32, #tpu.memory_space<hbm>>
      %dma_wait3A_25 = tpu.memref_slice %arg4[%add3A_13] : memref<4096xi32, #tpu.memory_space<hbm>> -> memref<128xi32, #tpu.memory_space<hbm>>
      tpu.wait_dma2 semaphore(%run_scoped3A : memref<!tpu.dma_semaphore, #tpu.memory_space<semaphore_mem>>) src(%dma_wait3A_25 : memref<128xi32, #tpu.memory_space<hbm>>) dst(%arg7 : memref<128xi32, #tpu.memory_space<vmem>>)
      tpu.yield
    }) : () -> ()
    %dma_start3A_14 = arith.constant 0 : i32
    %dma_start3A_15 = arith.constant 0 : i32
    %dma_start3A_16 = tpu.memref_slice %arg2[%dma_start3A_14, %dma_start3A_15] : memref<12288x768xf32, #tpu.memory_space<hbm>> -> memref<12288x768xf32, #tpu.memory_space<hbm>>
    tpu.enqueue_indirect_dma source(%dma_start3A_16 : memref<12288x768xf32, #tpu.memory_space<hbm>>) target(%arg8 : memref<128x768xf32, #tpu.memory_space<vmem>>) offsets(%arg7 : memref<128xi32, #tpu.memory_space<vmem>>) semaphore(%arg9 : memref<!tpu.dma_semaphore, #tpu.memory_space<semaphore_mem>>)
    %dma_wait3A_17 = arith.constant 0 : i32
    %dma_wait3A_18 = arith.constant 0 : i32
    %dma_wait3A_19 = tpu.memref_slice %arg2[%dma_wait3A_17, %dma_wait3A_18] : memref<12288x768xf32, #tpu.memory_space<hbm>> -> memref<12288x768xf32, #tpu.memory_space<hbm>>
    tpu.wait_indirect_dma semaphore(%arg9 : memref<!tpu.dma_semaphore, #tpu.memory_space<semaphore_mem>>) src(%dma_wait3A_19 : memref<12288x768xf32, #tpu.memory_space<hbm>>) dst(%arg8 : memref<128x768xf32, #tpu.memory_space<vmem>>)
    %add3A_20 = arith.addi %mul3A_2, %add3A_6 : i32
    "tpu.region"() ({
      %run_scoped3A = tpu.sem_alloc : memref<!tpu.dma_semaphore, #tpu.memory_space<semaphore_mem>>
      %dma_start3A_22 = arith.constant 0 : i32
      %dma_start3A_23 = tpu.memref_slice %arg6[%add3A_20, %dma_start3A_22] : memref<4096x768xf32, #tpu.memory_space<hbm>> -> memref<128x768xf32, #tpu.memory_space<hbm>>
      %dma_start3A_24 = arith.constant 0 : i32
      %dma_start3A_25 = tpu.memref_slice %arg6[%add3A_20, %dma_start3A_24] : memref<4096x768xf32, #tpu.memory_space<hbm>> -> memref<128x768xf32, #tpu.memory_space<hbm>>
      tpu.enqueue_dma source(%arg8 : memref<128x768xf32, #tpu.memory_space<vmem>>) target(%dma_start3A_25 : memref<128x768xf32, #tpu.memory_space<hbm>>) target_semaphore(%run_scoped3A : memref<!tpu.dma_semaphore, #tpu.memory_space<semaphore_mem>>)
      %dma_wait3A_26 = arith.constant 0 : i32
      %dma_wait3A_27 = tpu.memref_slice %arg6[%add3A_20, %dma_wait3A_26] : memref<4096x768xf32, #tpu.memory_space<hbm>> -> memref<128x768xf32, #tpu.memory_space<hbm>>
      %dma_wait3A_28 = arith.constant 0 : i32
      %dma_wait3A_29 = tpu.memref_slice %arg6[%add3A_20, %dma_wait3A_28] : memref<4096x768xf32, #tpu.memory_space<hbm>> -> memref<128x768xf32, #tpu.memory_space<hbm>>
      tpu.wait_dma2 semaphore(%run_scoped3A : memref<!tpu.dma_semaphore, #tpu.memory_space<semaphore_mem>>) src(%arg8 : memref<128x768xf32, #tpu.memory_space<vmem>>) dst(%dma_wait3A_29 : memref<128x768xf32, #tpu.memory_space<hbm>>)
      tpu.yield
    }) : () -> ()
    %scan3A_21 = arith.constant 1 : i32
    return
  }
}

module attributes {stable_mosaic.version = 14 : i64} {
  func.func @_router_body(%arg0: i32, %arg1: memref<512x768xf32, #tpu.memory_space<vmem>>, %arg2: memref<768x16xf32, #tpu.memory_space<vmem>>, %arg3: memref<512x2xf32, #tpu.memory_space<vmem>>, %arg4: memref<512x2xi32, #tpu.memory_space<vmem>>) attributes {dimension_semantics = [#tpu.dimension_semantics<arbitrary>], iteration_bounds = array<i64: 8>, scalar_prefetch = 0 : i64, scratch_operands = 0 : i64, tpu.core_type = #tpu.core_type<tc>, window_params = [{transform_indices = @transform_0, window_bounds = array<i64: 512, 768>}, {pipeline_mode = #tpu.pipeline_mode<synchronous>, transform_indices = @transform_1, window_bounds = array<i64: 768, 16>}, {transform_indices = @transform_2, window_bounds = array<i64: 512, 2>}, {transform_indices = @transform_3, window_bounds = array<i64: 512, 2>}]} {
    %get3A = arith.constant 0 : index
    %get3A_0 = arith.constant 0 : index
    %get3A_1 = vector.load %arg1[%get3A, %get3A_0] : memref<512x768xf32, #tpu.memory_space<vmem>>, vector<512x768xf32>
    %get3A_2 = arith.constant 0 : index
    %get3A_3 = arith.constant 0 : index
    %get3A_4 = vector.load %arg2[%get3A_2, %get3A_3] : memref<768x16xf32, #tpu.memory_space<vmem>>, vector<768x16xf32>
    %dot_general3A = arith.constant dense<0.000000e+00> : vector<512x16xf32>
    %dot_general3A_5 = tpu.matmul %get3A_1, %get3A_4, %dot_general3A {dimension_numbers = #tpu.dot_dimension_numbers<[1], [0], [0], [1], [0, 0, 1, 1], [], []>, transpose_lhs_hint = false} : vector<512x768xf32>, vector<768x16xf32>, vector<512x16xf32> -> vector<512x16xf32>
    %iota3A = tpu.iota {dimensions = array<i32: 1>} : vector<512x16xi32>
    %reduce_max3A = arith.constant dense<0xFF800000> : vector<512xf32>
    %reduce_max3A_6 = vector.multi_reduction <maximumf>, %dot_general3A_5, %reduce_max3A [1] : vector<512x16xf32> to vector<512xf32>
    %broadcast_in_dim3A = vector.shape_cast %reduce_max3A_6 : vector<512xf32> to vector<512x1xf32>
    %eq3A = vector.broadcast %broadcast_in_dim3A : vector<512x1xf32> to vector<512x16xf32>
    %eq3A_7 = arith.cmpf oeq, %dot_general3A_5, %eq3A : vector<512x16xf32>
    %jit3A = arith.constant 16 : i32
    %broadcast_in_dim3A_8 = vector.broadcast %jit3A : i32 to vector<512x16xi32>
    %select_n3A = arith.select %eq3A_7, %iota3A, %broadcast_in_dim3A_8 : vector<512x16xi1>, vector<512x16xi32>
    %reduce_min3A = arith.constant dense<2147483647> : vector<512xi32>
    %reduce_min3A_9 = vector.multi_reduction <minsi>, %select_n3A, %reduce_min3A [1] : vector<512x16xi32> to vector<512xi32>
    %broadcast_in_dim3A_10 = vector.shape_cast %reduce_min3A_9 : vector<512xi32> to vector<512x1xi32>
    %eq3A_11 = vector.broadcast %broadcast_in_dim3A_10 : vector<512x1xi32> to vector<512x16xi32>
    %eq3A_12 = arith.cmpi eq, %iota3A, %eq3A_11 : vector<512x16xi32>
    %jit3A_13 = arith.constant -3.40282347E+38 : f32
    %broadcast_in_dim3A_14 = vector.broadcast %jit3A_13 : f32 to vector<512x16xf32>
    %select_n3A_15 = arith.select %eq3A_12, %broadcast_in_dim3A_14, %dot_general3A_5 : vector<512x16xi1>, vector<512x16xf32>
    %reduce_max3A_16 = arith.constant dense<0xFF800000> : vector<512xf32>
    %reduce_max3A_17 = vector.multi_reduction <maximumf>, %select_n3A_15, %reduce_max3A_16 [1] : vector<512x16xf32> to vector<512xf32>
    %broadcast_in_dim3A_18 = vector.shape_cast %reduce_max3A_17 : vector<512xf32> to vector<512x1xf32>
    %eq3A_19 = vector.broadcast %broadcast_in_dim3A_18 : vector<512x1xf32> to vector<512x16xf32>
    %eq3A_20 = arith.cmpf oeq, %select_n3A_15, %eq3A_19 : vector<512x16xf32>
    %jit3A_21 = arith.constant 16 : i32
    %broadcast_in_dim3A_22 = vector.broadcast %jit3A_21 : i32 to vector<512x16xi32>
    %select_n3A_23 = arith.select %eq3A_20, %iota3A, %broadcast_in_dim3A_22 : vector<512x16xi1>, vector<512x16xi32>
    %reduce_min3A_24 = arith.constant dense<2147483647> : vector<512xi32>
    %reduce_min3A_25 = vector.multi_reduction <minsi>, %select_n3A_23, %reduce_min3A_24 [1] : vector<512x16xi32> to vector<512xi32>
    %broadcast_in_dim3A_26 = vector.shape_cast %reduce_min3A_25 : vector<512xi32> to vector<512x1xi32>
    %sub3A = arith.subf %broadcast_in_dim3A_18, %broadcast_in_dim3A : vector<512x1xf32>
    %exp3A = math.exp %sub3A : vector<512x1xf32>
    %add3A = arith.constant 1.000000e+00 : f32
    %add3A_27 = vector.broadcast %add3A : f32 to vector<512x1xf32>
    %add3A_28 = arith.addf %add3A_27, %exp3A : vector<512x1xf32>
    %div3A = arith.constant 1.000000e+00 : f32
    %div3A_29 = vector.broadcast %div3A : f32 to vector<512x1xf32>
    %div3A_30 = arith.divf %div3A_29, %add3A_28 : vector<512x1xf32>
    %sub3A_31 = arith.constant 1.000000e+00 : f32
    %sub3A_32 = vector.broadcast %sub3A_31 : f32 to vector<512x1xf32>
    %sub3A_33 = arith.subf %sub3A_32, %div3A_30 : vector<512x1xf32>
    %concatenate3A = tpu.concatenate %div3A_30, %sub3A_33 in 1 : vector<512x1xf32>, vector<512x1xf32> -> vector<512x2xf32>
    %swap3A = arith.constant 0 : index
    %swap3A_34 = arith.constant 0 : index
    %swap3A_35 = vector.load %arg3[%swap3A, %swap3A_34] : memref<512x2xf32, #tpu.memory_space<vmem>>, vector<512x2xf32>
    tpu.vector_store %arg3[%swap3A, %swap3A_34], %concatenate3A {strides = array<i32>} : memref<512x2xf32, #tpu.memory_space<vmem>>, vector<512x2xf32>,
    %concatenate3A_36 = tpu.concatenate %broadcast_in_dim3A_10, %broadcast_in_dim3A_26 in 1 : vector<512x1xi32>, vector<512x1xi32> -> vector<512x2xi32>
    %swap3A_37 = arith.constant 0 : index
    %swap3A_38 = arith.constant 0 : index
    %swap3A_39 = vector.load %arg4[%swap3A_37, %swap3A_38] : memref<512x2xi32, #tpu.memory_space<vmem>>, vector<512x2xi32>
    tpu.vector_store %arg4[%swap3A_37, %swap3A_38], %concatenate3A_36 {strides = array<i32>} : memref<512x2xi32, #tpu.memory_space<vmem>>, vector<512x2xi32>,
    return
  }
  func.func @transform_0(%arg0: i32) -> (i32, i32) {
    %c0_i32 = arith.constant 0 : i32
    %c0_i32_0 = arith.constant 0 : i32
    return %arg0, %c0_i32 : i32, i32
  }
  func.func @transform_1(%arg0: i32) -> (i32, i32) {
    %c0_i32 = arith.constant 0 : i32
    %c0_i32_0 = arith.constant 0 : i32
    %c0_i32_1 = arith.constant 0 : i32
    return %c0_i32, %c0_i32_0 : i32, i32
  }
  func.func @transform_2(%arg0: i32) -> (i32, i32) {
    %c0_i32 = arith.constant 0 : i32
    %c0_i32_0 = arith.constant 0 : i32
    return %arg0, %c0_i32 : i32, i32
  }
  func.func @transform_3(%arg0: i32) -> (i32, i32) {
    %c0_i32 = arith.constant 0 : i32
    %c0_i32_0 = arith.constant 0 : i32
    return %arg0, %c0_i32 : i32, i32
  }
}

module attributes {stable_mosaic.version = 14 : i64} {
  func.func @_comb_body(%arg0: i32, %arg1: memref<512x768xf32, #tpu.memory_space<vmem>>, %arg2: memref<512x768xf32, #tpu.memory_space<vmem>>, %arg3: memref<512x2xf32, #tpu.memory_space<vmem>>, %arg4: memref<512x768xf32, #tpu.memory_space<vmem>>) attributes {dimension_semantics = [#tpu.dimension_semantics<arbitrary>], iteration_bounds = array<i64: 8>, scalar_prefetch = 0 : i64, scratch_operands = 0 : i64, tpu.core_type = #tpu.core_type<tc>, window_params = [{transform_indices = @transform_0, window_bounds = array<i64: 512, 768>}, {transform_indices = @transform_1, window_bounds = array<i64: 512, 768>}, {transform_indices = @transform_2, window_bounds = array<i64: 512, 2>}, {transform_indices = @transform_3, window_bounds = array<i64: 512, 768>}]} {
    %get3A = arith.constant 0 : index
    %get3A_0 = arith.constant 0 : index
    %get3A_1 = vector.load %arg3[%get3A, %get3A_0] : memref<512x2xf32, #tpu.memory_space<vmem>>, vector<512x2xf32>
    %get3A_2 = arith.constant 0 : index
    %get3A_3 = arith.constant 0 : index
    %get3A_4 = vector.load %arg1[%get3A_2, %get3A_3] : memref<512x768xf32, #tpu.memory_space<vmem>>, vector<512x768xf32>
    %slice3A = vector.extract_strided_slice %get3A_1 {offsets = [0, 0], sizes = [512, 1], strides = [1, 1]} : vector<512x2xf32> to vector<512x1xf32>
    %mul3A = vector.broadcast %slice3A : vector<512x1xf32> to vector<512x768xf32>
    %mul3A_5 = arith.mulf %get3A_4, %mul3A : vector<512x768xf32>
    %get3A_6 = arith.constant 0 : index
    %get3A_7 = arith.constant 0 : index
    %get3A_8 = vector.load %arg2[%get3A_6, %get3A_7] : memref<512x768xf32, #tpu.memory_space<vmem>>, vector<512x768xf32>
    %slice3A_9 = vector.extract_strided_slice %get3A_1 {offsets = [0, 1], sizes = [512, 1], strides = [1, 1]} : vector<512x2xf32> to vector<512x1xf32>
    %mul3A_10 = vector.broadcast %slice3A_9 : vector<512x1xf32> to vector<512x768xf32>
    %mul3A_11 = arith.mulf %get3A_8, %mul3A_10 : vector<512x768xf32>
    %add3A = arith.addf %mul3A_5, %mul3A_11 : vector<512x768xf32>
    %swap3A = arith.constant 0 : index
    %swap3A_12 = arith.constant 0 : index
    %swap3A_13 = vector.load %arg4[%swap3A, %swap3A_12] : memref<512x768xf32, #tpu.memory_space<vmem>>, vector<512x768xf32>
    tpu.vector_store %arg4[%swap3A, %swap3A_12], %add3A {strides = array<i32>} : memref<512x768xf32, #tpu.memory_space<vmem>>, vector<512x768xf32>,
    return
  }
  func.func @transform_0(%arg0: i32) -> (i32, i32) {
    %c0_i32 = arith.constant 0 : i32
    %c0_i32_0 = arith.constant 0 : i32
    return %arg0, %c0_i32 : i32, i32
  }
  func.func @transform_1(%arg0: i32) -> (i32, i32) {
    %c0_i32 = arith.constant 0 : i32
    %c0_i32_0 = arith.constant 0 : i32
    return %arg0, %c0_i32 : i32, i32
  }
  func.func @transform_2(%arg0: i32) -> (i32, i32) {
    %c0_i32 = arith.constant 0 : i32
    %c0_i32_0 = arith.constant 0 : i32
    return %arg0, %c0_i32 : i32, i32
  }
  func.func @transform_3(%arg0: i32) -> (i32, i32) {
    %c0_i32 = arith.constant 0 : i32
    %c0_i32_0 = arith.constant 0 : i32
    return %arg0, %c0_i32 : i32, i32
  }
}

module attributes {stable_mosaic.version = 14 : i64} {
  func.func @_mm_body(%arg0: i32, %arg1: memref<48xi32, #tpu.memory_space<smem>>, %arg2: memref<256x768xf32, #tpu.memory_space<vmem>>, %arg3: memref<1x768x768xbf16, #tpu.memory_space<vmem>>, %arg4: memref<1x1x768xf32, #tpu.memory_space<vmem>>, %arg5: memref<256x768xf32, #tpu.memory_space<vmem>>) attributes {dimension_semantics = [#tpu.dimension_semantics<arbitrary>], iteration_bounds = array<i64: 48>, scalar_prefetch = 1 : i64, scratch_operands = 0 : i64, tpu.core_type = #tpu.core_type<tc>, window_params = [{transform_indices = @transform_0, window_bounds = array<i64: 256, 768>}, {transform_indices = @transform_1, window_bounds = array<i64: 1, 768, 768>}, {transform_indices = @transform_2, window_bounds = array<i64: 1, 1, 768>}, {transform_indices = @transform_3, window_bounds = array<i64: 256, 768>}]} {
    %get3A = arith.constant 0 : index
    %get3A_0 = arith.constant 0 : index
    %get3A_1 = vector.load %arg2[%get3A, %get3A_0] : memref<256x768xf32, #tpu.memory_space<vmem>>, vector<256x768xf32>
    %get3A_2 = arith.constant 0 : index
    %get3A_3 = arith.constant 0 : index
    %get3A_4 = arith.constant 0 : index
    %get3A_5 = vector.load %arg3[%get3A_2, %get3A_3, %get3A_4] : memref<1x768x768xbf16, #tpu.memory_space<vmem>>, vector<1x768x768xbf16>
    %get3A_6 = vector.shape_cast %get3A_5 : vector<1x768x768xbf16> to vector<768x768xbf16>
    %dot_general3A = arith.constant dense<0.000000e+00> : vector<256x768xf32>
    %dot_general3A_7 = tpu.matmul %get3A_1, %get3A_6, %dot_general3A {dimension_numbers = #tpu.dot_dimension_numbers<[1], [1], [0], [0], [0, 0, 1, 0], [], []>, transpose_lhs_hint = false} : vector<256x768xf32>, vector<768x768xbf16>, vector<256x768xf32> -> vector<256x768xf32>
    %get3A_8 = arith.constant 0 : index
    %get3A_9 = arith.constant 0 : index
    %get3A_10 = arith.constant 0 : index
    %get3A_11 = vector.load %arg4[%get3A_8, %get3A_9, %get3A_10] : memref<1x1x768xf32, #tpu.memory_space<vmem>>, vector<1x1x768xf32>
    %get3A_12 = vector.shape_cast %get3A_11 : vector<1x1x768xf32> to vector<1x768xf32>
    %add3A = vector.broadcast %get3A_12 : vector<1x768xf32> to vector<256x768xf32>
    %add3A_13 = arith.addf %dot_general3A_7, %add3A : vector<256x768xf32>
    %swap3A = arith.constant 0 : index
    %swap3A_14 = arith.constant 0 : index
    %swap3A_15 = vector.load %arg5[%swap3A, %swap3A_14] : memref<256x768xf32, #tpu.memory_space<vmem>>, vector<256x768xf32>
    tpu.vector_store %arg5[%swap3A, %swap3A_14], %add3A_13 {strides = array<i32>} : memref<256x768xf32, #tpu.memory_space<vmem>>, vector<256x768xf32>,
    return
  }
  func.func @transform_0(%arg0: i32, %arg1: memref<48xi32, #tpu.memory_space<smem>>) -> (i32, i32) {
    %c0_i32 = arith.constant 0 : i32
    %c0_i32_0 = arith.constant 0 : i32
    return %arg0, %c0_i32 : i32, i32
  }
  func.func @transform_1(%arg0: i32, %arg1: memref<48xi32, #tpu.memory_space<smem>>) -> (i32, i32, i32) {
    %get3A = arith.index_cast %arg0 : i32 to index
    %get3A_0 = memref.load %arg1[%get3A] : memref<48xi32, #tpu.memory_space<smem>>
    %c0_i32 = arith.constant 0 : i32
    %c0_i32_1 = arith.constant 0 : i32
    %c0_i32_2 = arith.constant 0 : i32
    return %get3A_0, %c0_i32, %c0_i32_1 : i32, i32, i32
  }
  func.func @transform_2(%arg0: i32, %arg1: memref<48xi32, #tpu.memory_space<smem>>) -> (i32, i32, i32) {
    %get3A = arith.index_cast %arg0 : i32 to index
    %get3A_0 = memref.load %arg1[%get3A] : memref<48xi32, #tpu.memory_space<smem>>
    %c0_i32 = arith.constant 0 : i32
    %c0_i32_1 = arith.constant 0 : i32
    %c0_i32_2 = arith.constant 0 : i32
    return %get3A_0, %c0_i32, %c0_i32_1 : i32, i32, i32
  }
  func.func @transform_3(%arg0: i32, %arg1: memref<48xi32, #tpu.memory_space<smem>>) -> (i32, i32) {
    %c0_i32 = arith.constant 0 : i32
    %c0_i32_0 = arith.constant 0 : i32
    return %arg0, %c0_i32 : i32, i32
  }
}

</mosaic_0001>

<sc_bundles>
// kernel: kernel.10.cloned.1.call-start
scs
__scs_entry_jumppad:
0x0: {  	(pc) =	sbr.rel $0x88, $3  }
0x1: {  	(tag) =	ssettag $0x0;
	lr =	simm.s32 $0x1  }
0x2: {  	[smem:$0x3F9D] =	sst lr;
	_ =	strace $0xD0000000  }
0x3: {  	_ = 	snop  }
0x4: {  	_ = 	snop  }
0x5: {  	_ = 	snop  }
0x6: {  	_ = 	snop  }
0x7: {  	_ = 	snop  }
__scs_overlays_trampoline_lowered:
0x8: {  	[smem:$0x3FAC] =	sst s0  }
0x9: {  	[smem:$0x3FAD] =	sst s1  }
0xa: {  	[smem:$0x3FAE] =	sst s2  }
0xb: {  	[smem:$0x3FAF] =	sst s3  }
0xc: {  	[smem:$0x3FB0] =	sst s4  }
0xd: {  	[smem:$0x3FB1] =	sst s5  }
0xe: {  	[smem:$0x3FB2] =	sst s6  }
0xf: {  	[smem:$0x3FB3] =	sst s7  }
0x10: {  	[smem:$0x3FB4] =	sst s8  }
0x11: {  	[smem:$0x3FB5] =	sst s9;
	s0 =	simm.s32 @!p0 $0x0  }
0x12: {  	s1 =	sld [smem:$0x3F9B];
	s0 =	simm.s32 @p0 $0x1  }
0x13: {  	[smem:$0x3FB6] =	sst s0;
	s0 =	simm.s32 @!p1 $0x0  }
0x14: {  	s2 =	sld [smem:$0x3F9A];
	s0 =	simm.s32 @p1 $0x1  }
0x15: {  	[smem:$0x3FB7] =	sst s0;
	s0 =	simm.s32 @!p2 $0x0  }
0x16: {  	s3 =	sld [smem:$0x3FDB];
	s0 =	simm.s32 @p2 $0x1  }
0x17: {  	s4 =	simm.s32 $0x1BF5;
	[smem:$0x3FB9] =	sst s0  }
0x18: {  	s0 =	sld [smem:$0x3F9C];
	_ =	swait.ge [sflag:s4], $0x0  }
0x19: {  	s7 =	sld [smem:$0x3F9D]  }
0x1a: {  	s8 =	sadd.s32 $0xFFFFE003, lr  }
0x1b: {  	s9 =	sadd.s32 $0xFFFFFEF7, lr;
	s5 =	simm.s32 $0xFFFFFFFF;
	p2 =	slt.u32 s8, $0xFFFFF086  }
0x1c: {  	p1 =	slt.u32 s9, $0xF7A;
	s5 =	simm.s32 @!p2 $0x0  }
0x1d: {  	s5 =	simm.s32 @p1 $0x1;
	p0 =	seq.s32 s7, s2  }
0x1e: {  	s7 =	smul.u32 @!p0 $0xF7A, s2;
	p2 =	seq.s32 @!p0 s5, $0x0  }
0x1f: {  	s9 =	smul.u32 $0xF7A, s1;
	s8 =	simm.s32 @!p0 $0x1BF5;
	p2 =	por !p2, p0  }
0x20: {  	[sflag:s8] =	ssyncset.s32 @!p0 $0xFFFFF086;
	s6 =	sadd.s32 @!p0 s3, s7;
	s7 =	simm.s32 @!p0 $0x108  }
0x21: {  	s3 =	sadd.s32 s3, s9;
	s6 =	sadd.s32 @!p0 $0x88, s6;
	s7 =	simm.s32 @p2 $0x1082  }
0x22: {  	[simem:s7], [sflag:s8] =	dma.local @!p0 [hbm:s6], $0xF7A  }
0x23: {  	s9 =	sor.u32 $0xD0000000, s2;
	s6 =	simm.s32 $0x108;
	_ =	swait.ge @!p0 [sflag:s8], $0x0  }
0x24: {  	s3 =	sadd.s32 $0x88, s3;
	s6 =	simm.s32 @!p1 $0x1082;
	[sflag:s4] =	ssyncset.s32 $0xFFFFF086  }
0x25: {  	[simem:s6], [sflag:s4] =	dma.local [hbm:s3], $0xF7A  }
0x26: {  	[smem:$0x3F9D] =	sst s1;
	(tag) =	ssettag s2;
	_ =	strace s9  }
0x27: {  	s1 =	sld [smem:$0x3FAD]  }
0x28: {  	s2 =	sld [smem:$0x3FAE]  }
0x29: {  	s4 =	sld [smem:$0x3FB0]  }
0x2a: {  	p0 =	seq.s32 s5, $0x0;
	s5 =	sld [smem:$0x3FB1]  }
0x2b: {  	s6 =	sld [smem:$0x3FB2]  }
0x2c: {  	s7 =	sld [smem:$0x3FB3]  }
0x2d: {  	s3 =	simm.s32 $0x108;
	s8 =	sld [smem:$0x3FB4]  }
0x2e: {  	s3 =	simm.s32 @!p0 $0x1082;
	s9 =	sld [smem:$0x3FB5]  }
0x2f: {  	lr =	sadd.s32 s0, s3;
	s0 =	sld [smem:$0x3FAC]  }
0x30: {  	s3 =	sld [smem:$0x3FAF]  }
0x31: {  	[smem:$0x3FB8] =	sst s10  }
0x32: {  	s10 =	sld [smem:$0x3FB6];
	_ =	sdelay $0x3  }
0x33: {  	p0 =	seq.s32 s10, $0x1;
	s10 =	sld [smem:$0x3FB8];
	_ =	sdelay $0x3  }
0x34: {  	[smem:$0x3FB8] =	sst s10  }
0x35: {  	s10 =	sld [smem:$0x3FB7];
	_ =	sdelay $0x3  }
0x36: {  	p1 =	seq.s32 s10, $0x1;
	s10 =	sld [smem:$0x3FB8];
	_ =	sdelay $0x3  }
0x37: {  	[smem:$0x3FB8] =	sst s10  }
0x38: {  	s10 =	sld [smem:$0x3FB9]  }
0x39: {  	_ = 	snop;
	(pc) =	sbr.ind lr, $3  }
0x3a: {  	_ = 	snop  }
0x3b: {  	_ = 	snop  }
0x3c: {  	p2 =	seq.s32 s10, $0x1;
	s10 =	sld [smem:$0x3FB8]  }
0x3d: {  	_ =	shalt  }
0x3e: {  	_ =	shalt  }
0x3f: {  	_ =	shalt  }
0x40: {  	_ =	shalt  }
0x41: {  	_ =	shalt  }
0x42: {  	_ =	shalt  }
0x43: {  	_ =	shalt  }
0x44: {  	_ =	shalt  }
0x45: {  	_ =	shalt  }
0x46: {  	_ =	shalt  }
0x47: {  	_ =	shalt  }
0x48: {  	_ =	shalt  }
0x49: {  	_ =	shalt  }
0x4a: {  	_ =	shalt  }
0x4b: {  	_ =	shalt  }
0x4c: {  	_ =	shalt  }
0x4d: {  	_ =	shalt  }
0x4e: {  	_ =	shalt  }
0x4f: {  	_ =	shalt  }
0x50: {  	_ =	shalt  }
0x51: {  	_ =	shalt  }
0x52: {  	_ =	shalt  }
0x53: {  	_ =	shalt  }
0x54: {  	_ =	shalt  }
0x55: {  	_ =	shalt  }
0x56: {  	_ =	shalt  }
0x57: {  	_ =	shalt  }
0x58: {  	_ =	shalt  }
0x59: {  	_ =	shalt  }
0x5a: {  	_ =	shalt  }
0x5b: {  	_ =	shalt  }
0x5c: {  	_ =	shalt  }
0x5d: {  	_ =	shalt  }
0x5e: {  	_ =	shalt  }
0x5f: {  	_ =	shalt  }
0x60: {  	_ =	shalt  }
0x61: {  	_ =	shalt  }
0x62: {  	_ =	shalt  }
0x63: {  	_ =	shalt  }
0x64: {  	_ =	shalt  }
0x65: {  	_ =	shalt  }
0x66: {  	_ =	shalt  }
0x67: {  	_ =	shalt  }
0x68: {  	_ =	shalt  }
0x69: {  	_ =	shalt  }
0x6a: {  	_ =	shalt  }
0x6b: {  	_ =	shalt  }
0x6c: {  	_ =	shalt  }
0x6d: {  	_ =	shalt  }
0x6e: {  	_ =	shalt  }
0x6f: {  	_ =	shalt  }
0x70: {  	_ =	shalt  }
0x71: {  	_ =	shalt  }
0x72: {  	_ =	shalt  }
0x73: {  	_ =	shalt  }
0x74: {  	_ =	shalt  }
0x75: {  	_ =	shalt  }
0x76: {  	_ =	shalt  }
0x77: {  	_ =	shalt  }
0x78: {  	_ =	shalt  }
0x79: {  	_ =	shalt  }
0x7a: {  	_ =	shalt  }
0x7b: {  	_ =	shalt  }
0x7c: {  	_ =	shalt  }
0x7d: {  	_ =	shalt  }
0x7e: {  	_ =	shalt  }
0x7f: {  	_ =	shalt  }
0x80: {  	_ =	shalt  }
0x81: {  	_ =	shalt  }
0x82: {  	_ =	shalt  }
0x83: {  	_ =	shalt  }
0x84: {  	_ =	shalt  }
0x85: {  	_ =	shalt  }
0x86: {  	_ =	shalt  }
0x87: {  	_ =	shalt  }
.Lfunc_end0:
.L_simem_size_0:
called_computation.1_lowered:
.L_overlay_start_0:
0x88: {  	s2 =	sld [smem:$0x3FD9]  }
0x89: {  	s3 =	sld [smem:$0x3FFE];
	_ =	sdelay $0x1  }
0x8a: {  	s1 =	srdreg.scid  }
0x8b: {  	s0 =	sand.u32 $0x1, s1  }
0x8c: {  	s17 =	sshll.u32 s0, $0xA;
	s2 =	sadd.s32 s3, s2  }
0x8d: {  	s2 =	sadd.s32 s2, s17  }
0x8e: {  	[smem:$0x3FC4] =	sst s2  }
0x8f: {  	_ = 	snop  }
0x90: {  	s2 =	sld [smem:$0x3FD0];
	(tm) =	ssettm $0x1  }
0x91: {  	s18 =	sld [smem:$0x3FFB];
	_ =	sdelay $0x3  }
0x92: {  	_ =	strace s18  }
0x93: {  	s3 =	sld [smem:$0x3FFC];
	_ =	sdelay $0x3  }
0x94: {  	_ =	strace s3  }
0x95: {  	s3 =	sld [smem:$0x3FFD];
	_ =	sdelay $0x3  }
0x96: {  	_ =	strace s3  }
0x97: {  	_ =	strace $0x8FFFFFFF  }
0x98: {  	s19 =	sld [smem:$0x3FDB];
	_ =	sdelay $0x1  }
0x99: {  	s4 =	simm.s32 $_scs_section_size  }
0x9a: {  	s5 =	simm.s32 $_size__tile_overlayer_lowered;
	s6 =	simm.s32 $_tile_overlayer_lowered  }
0x9b: {  	s22 =	simm.s32 $0x1BFF;
	s21 =	sshll.u32 s6, $0x1;
	s3 =	sadd.s32 s4, s19  }
0x9c: {  	s7 =	simm.s32 $0x0;
	s20 =	sshll.u32 s5, $0x1;
	s5 =	sadd.s32 s21, s3  }
0x9d: {  	[timem:s7], [sflag:s22] =	dma.local [hbm:s5], s20  }
0x9e: {  	_ =	swait.ge [sflag:s22], s20  }
0x9f: {  	s4 =	ssub.s32 $0x0, s20;
	[sflag:s22] =	ssyncset.done $0x0  }
0xa0: {  	[sflag:s22] =	ssyncadd.s32 s4;
	_ =	sdelay $0x1  }
0xa1: {  	s23 =	simm.s32 $0x1B8B  }
0xa2: {  	_ =	swait.ge [sflag:s23], $0x1  }
0xa3: {  	[sflag:s23] =	ssyncset.done $0x0  }
0xa4: {  	s25 =	simm.s32 $0x1B8E;
	s24 =	sld [smem:$0x3FFE];
	[sflag:s23] =	ssyncadd.s32 $0xFFFFFFFF  }
0xa5: {  	s26 =	simm.s32 $execute0_lowered;
	[smem:$0x3FD2] =	sst s25  }
0xa6: {  	s5 =	sshll.u32 s26, $0x1;
	_ =	strace $0x80000049;
	[dreg:$0x1] =	wrdreg $0xFFFFFFFF  }
0xa7: {  	s28 =	simm.s32 $_size_execute0_lowered;
	s3 =	sadd.s32 s3, s5;
	[dreg:$0x0] =	wrdreg $0x0  }
0xa8: {  	s5 =	sshll.u32 s28, $0x1;
	[dreg:$0x2] =	wrdreg s3  }
0xa9: {  	[dreg:$0x3] =	wrdreg s5  }
0xaa: {  	[dreg:$0x4] =	wrdreg $0xC0  }
0xab: {  	_ =	task [dreg:s7], $0x5FFFF  }
0xac: {  	[dreg:$0x1] =	wrdreg $0xFFFFFFFF  }
0xad: {  	[dreg:$0x0] =	wrdreg $0x60  }
0xae: {  	[dreg:$0x2] =	wrdreg s24  }
0xaf: {  	[dreg:$0x3] =	wrdreg s2  }
0xb0: {  	[dreg:$0x4] =	wrdreg $0x9  }
0xb1: {  	_ =	task.clear_ibuf [dreg:s7], $0x5FFFF;
	_ =	strace $0x90000049  }
0xb2: {  	s29 =	simm.s32 $0x9;
	_ =	strace $0x8000004B  }
0xb3: {  	_ =	swait.ge [sflag:s29], $0x1  }
0xb4: {  	[sflag:s29] =	ssyncadd.s32 $0xFFFFFFFF  }
0xb5: {  	_ =	strace $0x9000004B  }
0xb6: {  	_ =	sfence  }
0xb7: {  	s30 =	sld [smem:$0x0];
	_ =	sdelay $0x2  }
0xb8: {  	s31 =	sshll.u32 s1, $0xD;
	s1 =	sshrl.u32 s1, $0x2  }
0xb9: {  	s3 =	sand.u32 $0x4000, s31;
	s1 =	sadd.s32 s1, s30  }
0xba: {  	s0 =	sor.u32 s3, s0;
	s1 =	sshll.u32 s1, $0x11  }
0xbb: {  	s0 =	sor.u32 s1, s0  }
0xbc: {  	s0 =	sadd.s32 $0x8F2B, s0  }
0xbd: {  	[sflag:s0] =	ssyncadd.remote.s32 $0x1  }
0xbe: {  	_ =	sfence.sel $0xFFFF  }
0xbf: {  	[dreg:$0x0] =	wrdreg $0xFFFFFFFF;
	(pc) =	sbr.abs _section_cstart, $3  }
0xc0: {  	[dreg:$0x1] =	wrdreg $0xFFFFFFFF  }
0xc1: {  	_ =	task.clear_ibuf [dreg:s7], $0x2FFFF;
	_ =	strace $0x9FFFFFFF  }
0xc2: {  	(tm) =	ssettm $0x7FFFFFFF  }
0xc3: {  	_ =	shalt  }
tec
execute0_lowered:
.L_overlay_start_1:
0x0: {  	(tag) =	ssettag $0x1  }
0x1: {  	s0 =	srdreg.scid  }
0x2: {  	s1 =	rddreg [dreg:$0x0];
	s2 =	stileid.u32  }
0x3: {  	s4 =	rddreg [dreg:$0x1];
	s10 =	simm.s32 $0x1;
	s11 =	simm.s32 $0x880  }
0x4: {  	s12 =	simm.s32 $0x1080;
	s13 =	simm.s32 $0x1880;
	s14 =	simm.s32 $0x2080  }
0x5: {  	s15 =	simm.s32 $0x2880;
	s16 =	simm.s32 $0x3080;
	s17 =	simm.s32 $0x3880  }
0x6: {  	s18 =	simm.s32 $0x4080;
	s19 =	simm.s32 $0x4880;
	s20 =	simm.s32 $0x5080  }
0x7: {  	s21 =	simm.s32 $0x5880;
	s22 =	simm.s32 $0x6080;
	s23 =	simm.s32 $0x6880  }
0x8: {  	s24 =	simm.s32 $0x7080;
	s28 =	simm.s32 $0x8880;
	s29 =	simm.s32 $0x9080  }
0x9: {  	s30 =	simm.s32 $0x9880;
	s31 =	simm.s32 $0xA080;
	s9 =	simm.s32 $0xB880  }
0xa: {  	s0 =	sand.u32 $0x1, s0;
	s3 =	sshll.u32 s2, $0x5;
	s2 =	simm.s32 $0x0  }
0xb: {  	s5 =	sshll.u32 s0, $0x4;
	[smem:$0x7FF] =	sst s2;
	s0 =	ssub.s32 $0x2, s0  }
0xc: {  	s5 =	sor.u32 s5, s3;
	_ =	strace $0x8000004A;
	s3 =	sadd.s32 $0x120400, s1  }
0xd: {  	s8 =	sshrl.u32 s0, $0x1;
	s6 =	smul.u32 $0x300, s5;
	s7 =	sadd.s32 s1, s5  }
0xe: {  	s0 =	ssub.s32 s0, s8;
	s5 =	sadd.s32 $0x120500, s1;
	s8 =	simm.s32 $0x2  }
0xf: {  	[dreg:$0x6] =	wrdreg s7;
	s7 =	sadd.s32 $0x200, s7;
	s25 =	sadd.s32 s6, s1  }
0x10: {  	v2 =	vlaneseq.u32;
	[dreg:$0x3] =	wrdreg s7;
	s4 =	sadd.s32 s4, s6;
	s6 =	sadd.s32 $0x120600, s1  }
0x11: {  	vm0 =	vmmov $0xffff;
	v1 =	vshrl.u32 v2, $0x3;
	s7 =	smax.u32 s0, $0x1;
	[dreg:$0x4] =	wrdreg s4;
	s26 =	sadd.s32 $0x400, s25  }
0x12: {  	v0 =	vand.u32 $0x7, v2;
	v2 =	vor.u32 $0x8, v2;
	v1 =	vmul.u32 $0x8, v1;
	s25 =	simm.s32 $0x7880;
	[dreg:$0x5] =	wrdreg s26;
	s26 =	simm.s32 $0x8080  }
.LBB2_1:
0x13: {  	s4 =	rddreg [dreg:$0x3]  }
0x14: {  	[tilespmem:s2], [sflag:$0x2] =	stream.linear.gather [hbm4b:s4+s2], $0x80, $0x38;
	[tilespmem:$0x18080] =	vst v63  }
0x15: {  	_ =	swait.ge [sflag:s8], $0x80  }
0x16: {  	[sflag:s8] =	ssyncset.done $0x0  }
0x17: {  	[sflag:s8] =	ssyncadd.s32 $0xFFFFFF80  }
0x18: {  	v3 =	vld [tilespmem:$0x0];
	_ =	sdelay $0x4  }
0x19: {  	v4 =	vshrl.u32 v3, $0x3  }
0x1a: {  	v4 =	vmul.u32 $0x30, v4  }
0x1b: {  	v3 =	vand.u32 $0x7, v3  }
0x1c: {  	v3 =	vor.u32 v3, v4  }
0x1d: {  	v4 =	vperm.xlane v3, v0;
	_ =	sdelay $0x1  }
0x1e: {  	v4 =	vadd.s32 v1, v4;
	_ =	sdelay $0x3  }
0x1f: {  	s0 =	simm.s32 $0x80;
	v3 =	vperm.xlane v3, v2  }
0x20: {  	[tilespmem:s0], [sflag:$0x1] =	stream.indirect_vreg.gather [hbm4b:s3+s2], $0x80, v4, vm0, $0xb8;
	[tilespmem:$0x18080] =	vst v63  }
0x21: {  	v3 =	vadd.s32 v1, v3  }
0x22: {  	[tilespmem:s11], [sflag:$0x1] =	stream.indirect_vreg.gather [hbm4b:s5+s2], $0x80, v4, vm0, $0xb8;
	[tilespmem:$0x18080] =	vst v63  }
0x23: {  	_ = 	snop  }
0x24: {  	[tilespmem:s12], [sflag:$0x1] =	stream.indirect_vreg.gather [hbm4b:s6+s2], $0x80, v4, vm0, $0xb8;
	[tilespmem:$0x18080] =	vst v63  }
0x25: {  	_ = 	snop  }
0x26: {  	[tilespmem:s13], [sflag:$0x1] =	stream.indirect_vreg.gather [hbm4b:s3+s2], $0x80, v3, vm0, $0xb8;
	[tilespmem:$0x18080] =	vst v63  }
0x27: {  	_ = 	snop  }
0x28: {  	[tilespmem:s14], [sflag:$0x1] =	stream.indirect_vreg.gather [hbm4b:s5+s2], $0x80, v3, vm0, $0xb8;
	[tilespmem:$0x18080] =	vst v63  }
0x29: {  	_ = 	snop  }
0x2a: {  	[tilespmem:s15], [sflag:$0x1] =	stream.indirect_vreg.gather [hbm4b:s6+s2], $0x80, v3, vm0, $0xb8;
	[tilespmem:$0x18080] =	vst v63  }
0x2b: {  	v3 =	vld [tilespmem:$0x10];
	_ =	sdelay $0x4  }
0x2c: {  	v49 =	vshrl.u32 v3, $0x3  }
0x2d: {  	v4 =	vmul.u32 $0x30, v49  }
0x2e: {  	v3 =	vand.u32 $0x7, v3  }
0x2f: {  	v3 =	vor.u32 v3, v4  }
0x30: {  	v4 =	vperm.xlane v3, v0;
	_ =	sdelay $0x1  }
0x31: {  	v4 =	vadd.s32 v1, v4;
	_ =	sdelay $0x3  }
0x32: {  	v3 =	vperm.xlane v3, v2  }
0x33: {  	[tilespmem:s16], [sflag:$0x1] =	stream.indirect_vreg.gather [hbm4b:s3+s2], $0x80, v4, vm0, $0xb8;
	[tilespmem:$0x18080] =	vst v63  }
0x34: {  	v3 =	vadd.s32 v1, v3  }
0x35: {  	[tilespmem:s17], [sflag:$0x1] =	stream.indirect_vreg.gather [hbm4b:s5+s2], $0x80, v4, vm0, $0xb8;
	[tilespmem:$0x18080] =	vst v63  }
0x36: {  	_ = 	snop  }
0x37: {  	[tilespmem:s18], [sflag:$0x1] =	stream.indirect_vreg.gather [hbm4b:s6+s2], $0x80, v4, vm0, $0xb8;
	[tilespmem:$0x18080] =	vst v63  }
0x38: {  	_ = 	snop  }
0x39: {  	[tilespmem:s19], [sflag:$0x1] =	stream.indirect_vreg.gather [hbm4b:s3+s2], $0x80, v3, vm0, $0xb8;
	[tilespmem:$0x18080] =	vst v63  }
0x3a: {  	_ = 	snop  }
0x3b: {  	[tilespmem:s20], [sflag:$0x1] =	stream.indirect_vreg.gather [hbm4b:s5+s2], $0x80, v3, vm0, $0xb8;
	[tilespmem:$0x18080] =	vst v63  }
0x3c: {  	_ = 	snop  }
0x3d: {  	[tilespmem:s21], [sflag:$0x1] =	stream.indirect_vreg.gather [hbm4b:s6+s2], $0x80, v3, vm0, $0xb8;
	[tilespmem:$0x18080] =	vst v63  }
0x3e: {  	v3 =	vld [tilespmem:$0x20];
	_ =	sdelay $0x4  }
0x3f: {  	v50 =	vshrl.u32 v3, $0x3  }
0x40: {  	v4 =	vmul.u32 $0x30, v50  }
0x41: {  	v3 =	vand.u32 $0x7, v3  }
0x42: {  	v3 =	vor.u32 v3, v4  }
0x43: {  	v4 =	vperm.xlane v3, v0;
	_ =	sdelay $0x1  }
0x44: {  	v4 =	vadd.s32 v1, v4;
	_ =	sdelay $0x3  }
0x45: {  	v3 =	vperm.xlane v3, v2  }
0x46: {  	[tilespmem:s22], [sflag:$0x1] =	stream.indirect_vreg.gather [hbm4b:s3+s2], $0x80, v4, vm0, $0xb8;
	[tilespmem:$0x18080] =	vst v63  }
0x47: {  	v3 =	vadd.s32 v1, v3  }
0x48: {  	[tilespmem:s23], [sflag:$0x1] =	stream.indirect_vreg.gather [hbm4b:s5+s2], $0x80, v4, vm0, $0xb8;
	[tilespmem:$0x18080] =	vst v63  }
0x49: {  	_ = 	snop  }
0x4a: {  	[tilespmem:s24], [sflag:$0x1] =	stream.indirect_vreg.gather [hbm4b:s6+s2], $0x80, v4, vm0, $0xb8;
	[tilespmem:$0x18080] =	vst v63  }
0x4b: {  	_ = 	snop  }
0x4c: {  	[tilespmem:s25], [sflag:$0x1] =	stream.indirect_vreg.gather [hbm4b:s3+s2], $0x80, v3, vm0, $0xb8;
	[tilespmem:$0x18080] =	vst v63  }
0x4d: {  	_ = 	snop  }
0x4e: {  	[tilespmem:s26], [sflag:$0x1] =	stream.indirect_vreg.gather [hbm4b:s5+s2], $0x80, v3, vm0, $0xb8;
	[tilespmem:$0x18080] =	vst v63  }
0x4f: {  	_ = 	snop  }
0x50: {  	[tilespmem:s28], [sflag:$0x1] =	stream.indirect_vreg.gather [hbm4b:s6+s2], $0x80, v3, vm0, $0xb8;
	[tilespmem:$0x18080] =	vst v63  }
0x51: {  	v3 =	vld [tilespmem:$0x30];
	_ =	sdelay $0x4  }
0x52: {  	v51 =	vshrl.u32 v3, $0x3  }
0x53: {  	v4 =	vmul.u32 $0x30, v51  }
0x54: {  	v3 =	vand.u32 $0x7, v3  }
0x55: {  	v3 =	vor.u32 v3, v4  }
0x56: {  	v4 =	vperm.xlane v3, v0;
	_ =	sdelay $0x1  }
0x57: {  	v4 =	vadd.s32 v1, v4;
	_ =	sdelay $0x3  }
0x58: {  	v3 =	vperm.xlane v3, v2  }
0x59: {  	[tilespmem:s29], [sflag:$0x1] =	stream.indirect_vreg.gather [hbm4b:s3+s2], $0x80, v4, vm0, $0xb8;
	[tilespmem:$0x18080] =	vst v63  }
0x5a: {  	v3 =	vadd.s32 v1, v3  }
0x5b: {  	[tilespmem:s30], [sflag:$0x1] =	stream.indirect_vreg.gather [hbm4b:s5+s2], $0x80, v4, vm0, $0xb8;
	[tilespmem:$0x18080] =	vst v63  }
0x5c: {  	_ = 	snop  }
0x5d: {  	[tilespmem:s31], [sflag:$0x1] =	stream.indirect_vreg.gather [hbm4b:s6+s2], $0x80, v4, vm0, $0xb8;
	[tilespmem:$0x18080] =	vst v63  }
0x5e: {  	s1 =	simm.s32 $0xA880  }
0x5f: {  	[tilespmem:s1], [sflag:$0x1] =	stream.indirect_vreg.gather [hbm4b:s3+s2], $0x80, v3, vm0, $0xb8;
	[tilespmem:$0x18080] =	vst v63  }
0x60: {  	s4 =	simm.s32 $0xB080  }
0x61: {  	[tilespmem:s4], [sflag:$0x1] =	stream.indirect_vreg.gather [hbm4b:s5+s2], $0x80, v3, vm0, $0xb8;
	[tilespmem:$0x18080] =	vst v63  }
0x62: {  	_ = 	snop  }
0x63: {  	[tilespmem:s9], [sflag:$0x1] =	stream.indirect_vreg.gather [hbm4b:s6+s2], $0x80, v3, vm0, $0xb8;
	[tilespmem:$0x18080] =	vst v63  }
0x64: {  	v3 =	vld [tilespmem:$0x40];
	_ =	sdelay $0x4  }
0x65: {  	v52 =	vshrl.u32 v3, $0x3  }
0x66: {  	v4 =	vmul.u32 $0x30, v52  }
0x67: {  	v3 =	vand.u32 $0x7, v3  }
0x68: {  	v3 =	vor.u32 v3, v4  }
0x69: {  	v4 =	vperm.xlane v3, v0;
	_ =	sdelay $0x1  }
0x6a: {  	v4 =	vadd.s32 v1, v4;
	_ =	sdelay $0x3  }
0x6b: {  	s4 =	simm.s32 $0xC080;
	v3 =	vperm.xlane v3, v2  }
0x6c: {  	[tilespmem:s4], [sflag:$0x1] =	stream.indirect_vreg.gather [hbm4b:s3+s2], $0x80, v4, vm0, $0xb8;
	[tilespmem:$0x18080] =	vst v63  }
0x6d: {  	v3 =	vadd.s32 v1, v3;
	s4 =	simm.s32 $0xC880  }
0x6e: {  	[tilespmem:s4], [sflag:$0x1] =	stream.indirect_vreg.gather [hbm4b:s5+s2], $0x80, v4, vm0, $0xb8;
	[tilespmem:$0x18080] =	vst v63  }
0x6f: {  	s4 =	simm.s32 $0xD080  }
0x70: {  	[tilespmem:s4], [sflag:$0x1] =	stream.indirect_vreg.gather [hbm4b:s6+s2], $0x80, v4, vm0, $0xb8;
	[tilespmem:$0x18080] =	vst v63  }
0x71: {  	s4 =	simm.s32 $0xD880  }
0x72: {  	[tilespmem:s4], [sflag:$0x1] =	stream.indirect_vreg.gather [hbm4b:s3+s2], $0x80, v3, vm0, $0xb8;
	[tilespmem:$0x18080] =	vst v63  }
0x73: {  	s4 =	simm.s32 $0xE080  }
0x74: {  	[tilespmem:s4], [sflag:$0x1] =	stream.indirect_vreg.gather [hbm4b:s5+s2], $0x80, v3, vm0, $0xb8;
	[tilespmem:$0x18080] =	vst v63  }
0x75: {  	s4 =	simm.s32 $0xE880  }
0x76: {  	[tilespmem:s4], [sflag:$0x1] =	stream.indirect_vreg.gather [hbm4b:s6+s2], $0x80, v3, vm0, $0xb8;
	[tilespmem:$0x18080] =	vst v63  }
0x77: {  	v3 =	vld [tilespmem:$0x50];
	_ =	sdelay $0x4  }
0x78: {  	v53 =	vshrl.u32 v3, $0x3  }
0x79: {  	v4 =	vmul.u32 $0x30, v53  }
0x7a: {  	v3 =	vand.u32 $0x7, v3  }
0x7b: {  	v3 =	vor.u32 v3, v4  }
0x7c: {  	v4 =	vperm.xlane v3, v0;
	_ =	sdelay $0x1  }
0x7d: {  	v4 =	vadd.s32 v1, v4;
	_ =	sdelay $0x3  }
0x7e: {  	s4 =	simm.s32 $0xF080;
	v3 =	vperm.xlane v3, v2  }
0x7f: {  	[tilespmem:s4], [sflag:$0x1] =	stream.indirect_vreg.gather [hbm4b:s3+s2], $0x80, v4, vm0, $0xb8;
	[tilespmem:$0x18080] =	vst v63  }
0x80: {  	v3 =	vadd.s32 v1, v3;
	s4 =	simm.s32 $0xF880  }
0x81: {  	[tilespmem:s4], [sflag:$0x1] =	stream.indirect_vreg.gather [hbm4b:s5+s2], $0x80, v4, vm0, $0xb8;
	[tilespmem:$0x18080] =	vst v63  }
0x82: {  	s4 =	simm.s32 $0x10080  }
0x83: {  	[tilespmem:s4], [sflag:$0x1] =	stream.indirect_vreg.gather [hbm4b:s6+s2], $0x80, v4, vm0, $0xb8;
	[tilespmem:$0x18080] =	vst v63  }
0x84: {  	s4 =	simm.s32 $0x10880  }
0x85: {  	[tilespmem:s4], [sflag:$0x1] =	stream.indirect_vreg.gather [hbm4b:s3+s2], $0x80, v3, vm0, $0xb8;
	[tilespmem:$0x18080] =	vst v63  }
0x86: {  	s4 =	simm.s32 $0x11080  }
0x87: {  	[tilespmem:s4], [sflag:$0x1] =	stream.indirect_vreg.gather [hbm4b:s5+s2], $0x80, v3, vm0, $0xb8;
	[tilespmem:$0x18080] =	vst v63  }
0x88: {  	s4 =	simm.s32 $0x11880  }
0x89: {  	[tilespmem:s4], [sflag:$0x1] =	stream.indirect_vreg.gather [hbm4b:s6+s2], $0x80, v3, vm0, $0xb8;
	[tilespmem:$0x18080] =	vst v63  }
0x8a: {  	v3 =	vld [tilespmem:$0x60];
	_ =	sdelay $0x4  }
0x8b: {  	v54 =	vshrl.u32 v3, $0x3  }
0x8c: {  	v4 =	vmul.u32 $0x30, v54  }
0x8d: {  	v3 =	vand.u32 $0x7, v3  }
0x8e: {  	v3 =	vor.u32 v3, v4  }
0x8f: {  	v4 =	vperm.xlane v3, v0;
	_ =	sdelay $0x1  }
0x90: {  	v4 =	vadd.s32 v1, v4;
	_ =	sdelay $0x3  }
0x91: {  	s4 =	simm.s32 $0x12080;
	v3 =	vperm.xlane v3, v2  }
0x92: {  	[tilespmem:s4], [sflag:$0x1] =	stream.indirect_vreg.gather [hbm4b:s3+s2], $0x80, v4, vm0, $0xb8;
	[tilespmem:$0x18080] =	vst v63  }
0x93: {  	v3 =	vadd.s32 v1, v3;
	s4 =	simm.s32 $0x12880  }
0x94: {  	[tilespmem:s4], [sflag:$0x1] =	stream.indirect_vreg.gather [hbm4b:s5+s2], $0x80, v4, vm0, $0xb8;
	[tilespmem:$0x18080] =	vst v63  }
0x95: {  	s4 =	simm.s32 $0x13080  }
0x96: {  	[tilespmem:s4], [sflag:$0x1] =	stream.indirect_vreg.gather [hbm4b:s6+s2], $0x80, v4, vm0, $0xb8;
	[tilespmem:$0x18080] =	vst v63  }
0x97: {  	s4 =	simm.s32 $0x13880  }
0x98: {  	[tilespmem:s4], [sflag:$0x1] =	stream.indirect_vreg.gather [hbm4b:s3+s2], $0x80, v3, vm0, $0xb8;
	[tilespmem:$0x18080] =	vst v63  }
0x99: {  	s4 =	simm.s32 $0x14080  }
0x9a: {  	[tilespmem:s4], [sflag:$0x1] =	stream.indirect_vreg.gather [hbm4b:s5+s2], $0x80, v3, vm0, $0xb8;
	[tilespmem:$0x18080] =	vst v63  }
0x9b: {  	s4 =	simm.s32 $0x14880  }
0x9c: {  	[tilespmem:s4], [sflag:$0x1] =	stream.indirect_vreg.gather [hbm4b:s6+s2], $0x80, v3, vm0, $0xb8;
	[tilespmem:$0x18080] =	vst v63  }
0x9d: {  	v3 =	vld [tilespmem:$0x70];
	_ =	sdelay $0x4  }
0x9e: {  	v55 =	vshrl.u32 v3, $0x3  }
0x9f: {  	v4 =	vmul.u32 $0x30, v55  }
0xa0: {  	v3 =	vand.u32 $0x7, v3  }
0xa1: {  	v3 =	vor.u32 v3, v4  }
0xa2: {  	v4 =	vperm.xlane v3, v0;
	_ =	sdelay $0x1  }
0xa3: {  	v4 =	vadd.s32 v1, v4;
	_ =	sdelay $0x3  }
0xa4: {  	s4 =	simm.s32 $0x15080;
	v3 =	vperm.xlane v3, v2  }
0xa5: {  	[tilespmem:s4], [sflag:$0x1] =	stream.indirect_vreg.gather [hbm4b:s3+s2], $0x80, v4, vm0, $0xb8;
	[tilespmem:$0x18080] =	vst v63  }
0xa6: {  	v3 =	vadd.s32 v1, v3;
	s4 =	simm.s32 $0x15880  }
0xa7: {  	[tilespmem:s4], [sflag:$0x1] =	stream.indirect_vreg.gather [hbm4b:s5+s2], $0x80, v4, vm0, $0xb8;
	[tilespmem:$0x18080] =	vst v63  }
0xa8: {  	s4 =	simm.s32 $0x16080  }
0xa9: {  	[tilespmem:s4], [sflag:$0x1] =	stream.indirect_vreg.gather [hbm4b:s6+s2], $0x80, v4, vm0, $0xb8;
	[tilespmem:$0x18080] =	vst v63  }
0xaa: {  	s4 =	simm.s32 $0x16880  }
0xab: {  	[tilespmem:s4], [sflag:$0x1] =	stream.indirect_vreg.gather [hbm4b:s3+s2], $0x80, v3, vm0, $0xb8;
	[tilespmem:$0x18080] =	vst v63  }
0xac: {  	s4 =	simm.s32 $0x17080  }
0xad: {  	[tilespmem:s4], [sflag:$0x1] =	stream.indirect_vreg.gather [hbm4b:s5+s2], $0x80, v3, vm0, $0xb8;
	[tilespmem:$0x18080] =	vst v63  }
0xae: {  	s4 =	simm.s32 $0x17880  }
0xaf: {  	[tilespmem:s4], [sflag:$0x1] =	stream.indirect_vreg.gather [hbm4b:s6+s2], $0x80, v3, vm0, $0xb8;
	[tilespmem:$0x18080] =	vst v63  }
0xb0: {  	_ =	swait.ge [sflag:s10], $0x18000  }
0xb1: {  	[sflag:s10] =	ssyncset.done $0x0  }
0xb2: {  	s0 =	simm.s32 $0x80;
	s4 =	rddreg [dreg:$0x4];
	[sflag:s10] =	ssyncadd.s32 $0xFFFE8000  }
0xb3: {  	[hbm4b:s4+s2] =	stream.linear.scatter [tilespmem:s0], [sflag:$0x2], $0x18000, $0x38;
	[tilespmem:$0x18080] =	vst v63  }
0xb4: {  	_ =	swait.ge [sflag:s8], $0x18000  }
0xb5: {  	[sflag:s8] =	ssyncset.done $0x0  }
0xb6: {  	s4 =	rddreg [dreg:$0x6];
	[sflag:s8] =	ssyncadd.s32 $0xFFFE8000  }
0xb7: {  	[tilespmem:s2], [sflag:$0x2] =	stream.linear.gather [hbm4b:s4+s2], $0x80, $0x38;
	[tilespmem:$0x18080] =	vst v63  }
0xb8: {  	_ =	swait.ge [sflag:s8], $0x80  }
0xb9: {  	[sflag:s8] =	ssyncset.done $0x0  }
0xba: {  	[sflag:s8] =	ssyncadd.s32 $0xFFFFFF80  }
0xbb: {  	v3 =	vld [tilespmem:$0x0];
	_ =	sdelay $0x4  }
0xbc: {  	v56 =	vshrl.u32 v3, $0x3  }
0xbd: {  	v4 =	vmul.u32 $0x30, v56  }
0xbe: {  	v3 =	vand.u32 $0x7, v3  }
0xbf: {  	v3 =	vor.u32 v3, v4  }
0xc0: {  	v4 =	vperm.xlane v3, v0;
	_ =	sdelay $0x1  }
0xc1: {  	v4 =	vadd.s32 v1, v4;
	_ =	sdelay $0x3  }
0xc2: {  	v3 =	vperm.xlane v3, v2  }
0xc3: {  	[tilespmem:s0], [sflag:$0x1] =	stream.indirect_vreg.gather [hbm4b:s3+s2], $0x80, v4, vm0, $0xb8;
	[tilespmem:$0x18080] =	vst v63  }
0xc4: {  	v3 =	vadd.s32 v1, v3  }
0xc5: {  	[tilespmem:s11], [sflag:$0x1] =	stream.indirect_vreg.gather [hbm4b:s5+s2], $0x80, v4, vm0, $0xb8;
	[tilespmem:$0x18080] =	vst v63  }
0xc6: {  	_ = 	snop  }
0xc7: {  	[tilespmem:s12], [sflag:$0x1] =	stream.indirect_vreg.gather [hbm4b:s6+s2], $0x80, v4, vm0, $0xb8;
	[tilespmem:$0x18080] =	vst v63  }
0xc8: {  	_ = 	snop  }
0xc9: {  	[tilespmem:s13], [sflag:$0x1] =	stream.indirect_vreg.gather [hbm4b:s3+s2], $0x80, v3, vm0, $0xb8;
	[tilespmem:$0x18080] =	vst v63  }
0xca: {  	_ = 	snop  }
0xcb: {  	[tilespmem:s14], [sflag:$0x1] =	stream.indirect_vreg.gather [hbm4b:s5+s2], $0x80, v3, vm0, $0xb8;
	[tilespmem:$0x18080] =	vst v63  }
0xcc: {  	_ = 	snop  }
0xcd: {  	[tilespmem:s15], [sflag:$0x1] =	stream.indirect_vreg.gather [hbm4b:s6+s2], $0x80, v3, vm0, $0xb8;
	[tilespmem:$0x18080] =	vst v63  }
0xce: {  	v3 =	vld [tilespmem:$0x10];
	_ =	sdelay $0x4  }
0xcf: {  	v57 =	vshrl.u32 v3, $0x3  }
0xd0: {  	v4 =	vmul.u32 $0x30, v57  }
0xd1: {  	v3 =	vand.u32 $0x7, v3  }
0xd2: {  	v3 =	vor.u32 v3, v4  }
0xd3: {  	v4 =	vperm.xlane v3, v0;
	_ =	sdelay $0x1  }
0xd4: {  	v4 =	vadd.s32 v1, v4;
	_ =	sdelay $0x3  }
0xd5: {  	v3 =	vperm.xlane v3, v2  }
0xd6: {  	[tilespmem:s16], [sflag:$0x1] =	stream.indirect_vreg.gather [hbm4b:s3+s2], $0x80, v4, vm0, $0xb8;
	[tilespmem:$0x18080] =	vst v63  }
0xd7: {  	v3 =	vadd.s32 v1, v3  }
0xd8: {  	[tilespmem:s17], [sflag:$0x1] =	stream.indirect_vreg.gather [hbm4b:s5+s2], $0x80, v4, vm0, $0xb8;
	[tilespmem:$0x18080] =	vst v63  }
0xd9: {  	_ = 	snop  }
0xda: {  	[tilespmem:s18], [sflag:$0x1] =	stream.indirect_vreg.gather [hbm4b:s6+s2], $0x80, v4, vm0, $0xb8;
	[tilespmem:$0x18080] =	vst v63  }
0xdb: {  	_ = 	snop  }
0xdc: {  	[tilespmem:s19], [sflag:$0x1] =	stream.indirect_vreg.gather [hbm4b:s3+s2], $0x80, v3, vm0, $0xb8;
	[tilespmem:$0x18080] =	vst v63  }
0xdd: {  	_ = 	snop  }
0xde: {  	[tilespmem:s20], [sflag:$0x1] =	stream.indirect_vreg.gather [hbm4b:s5+s2], $0x80, v3, vm0, $0xb8;
	[tilespmem:$0x18080] =	vst v63  }
0xdf: {  	_ = 	snop  }
0xe0: {  	[tilespmem:s21], [sflag:$0x1] =	stream.indirect_vreg.gather [hbm4b:s6+s2], $0x80, v3, vm0, $0xb8;
	[tilespmem:$0x18080] =	vst v63  }
0xe1: {  	v3 =	vld [tilespmem:$0x20];
	_ =	sdelay $0x4  }
0xe2: {  	v58 =	vshrl.u32 v3, $0x3  }
0xe3: {  	v4 =	vmul.u32 $0x30, v58  }
0xe4: {  	v3 =	vand.u32 $0x7, v3  }
0xe5: {  	v3 =	vor.u32 v3, v4  }
0xe6: {  	v4 =	vperm.xlane v3, v0;
	_ =	sdelay $0x1  }
0xe7: {  	v4 =	vadd.s32 v1, v4;
	_ =	sdelay $0x3  }
0xe8: {  	v3 =	vperm.xlane v3, v2  }
0xe9: {  	[tilespmem:s22], [sflag:$0x1] =	stream.indirect_vreg.gather [hbm4b:s3+s2], $0x80, v4, vm0, $0xb8;
	[tilespmem:$0x18080] =	vst v63  }
0xea: {  	v3 =	vadd.s32 v1, v3  }
0xeb: {  	[tilespmem:s23], [sflag:$0x1] =	stream.indirect_vreg.gather [hbm4b:s5+s2], $0x80, v4, vm0, $0xb8;
	[tilespmem:$0x18080] =	vst v63  }
0xec: {  	_ = 	snop  }
0xed: {  	[tilespmem:s24], [sflag:$0x1] =	stream.indirect_vreg.gather [hbm4b:s6+s2], $0x80, v4, vm0, $0xb8;
	[tilespmem:$0x18080] =	vst v63  }
0xee: {  	_ = 	snop  }
0xef: {  	[tilespmem:s25], [sflag:$0x1] =	stream.indirect_vreg.gather [hbm4b:s3+s2], $0x80, v3, vm0, $0xb8;
	[tilespmem:$0x18080] =	vst v63  }
0xf0: {  	_ = 	snop  }
0xf1: {  	[tilespmem:s26], [sflag:$0x1] =	stream.indirect_vreg.gather [hbm4b:s5+s2], $0x80, v3, vm0, $0xb8;
	[tilespmem:$0x18080] =	vst v63  }
0xf2: {  	_ = 	snop  }
0xf3: {  	[tilespmem:s28], [sflag:$0x1] =	stream.indirect_vreg.gather [hbm4b:s6+s2], $0x80, v3, vm0, $0xb8;
	[tilespmem:$0x18080] =	vst v63  }
0xf4: {  	v3 =	vld [tilespmem:$0x30];
	_ =	sdelay $0x4  }
0xf5: {  	v59 =	vshrl.u32 v3, $0x3  }
0xf6: {  	v4 =	vmul.u32 $0x30, v59  }
0xf7: {  	v3 =	vand.u32 $0x7, v3  }
0xf8: {  	v3 =	vor.u32 v3, v4  }
0xf9: {  	v4 =	vperm.xlane v3, v0;
	_ =	sdelay $0x1  }
0xfa: {  	v4 =	vadd.s32 v1, v4;
	_ =	sdelay $0x3  }
0xfb: {  	v3 =	vperm.xlane v3, v2  }
0xfc: {  	[tilespmem:s29], [sflag:$0x1] =	stream.indirect_vreg.gather [hbm4b:s3+s2], $0x80, v4, vm0, $0xb8;
	[tilespmem:$0x18080] =	vst v63  }
0xfd: {  	v3 =	vadd.s32 v1, v3  }
0xfe: {  	[tilespmem:s30], [sflag:$0x1] =	stream.indirect_vreg.gather [hbm4b:s5+s2], $0x80, v4, vm0, $0xb8;
	[tilespmem:$0x18080] =	vst v63  }
0xff: {  	_ = 	snop  }
0x100: {  	[tilespmem:s31], [sflag:$0x1] =	stream.indirect_vreg.gather [hbm4b:s6+s2], $0x80, v4, vm0, $0xb8;
	[tilespmem:$0x18080] =	vst v63  }
0x101: {  	_ = 	snop  }
0x102: {  	[tilespmem:s1], [sflag:$0x1] =	stream.indirect_vreg.gather [hbm4b:s3+s2], $0x80, v3, vm0, $0xb8;
	[tilespmem:$0x18080] =	vst v63  }
0x103: {  	s4 =	simm.s32 $0xB080  }
0x104: {  	[tilespmem:s4], [sflag:$0x1] =	stream.indirect_vreg.gather [hbm4b:s5+s2], $0x80, v3, vm0, $0xb8;
	[tilespmem:$0x18080] =	vst v63  }
0x105: {  	_ = 	snop  }
0x106: {  	[tilespmem:s9], [sflag:$0x1] =	stream.indirect_vreg.gather [hbm4b:s6+s2], $0x80, v3, vm0, $0xb8;
	[tilespmem:$0x18080] =	vst v63  }
0x107: {  	v3 =	vld [tilespmem:$0x40];
	_ =	sdelay $0x4  }
0x108: {  	v60 =	vshrl.u32 v3, $0x3  }
0x109: {  	v4 =	vmul.u32 $0x30, v60  }
0x10a: {  	v3 =	vand.u32 $0x7, v3  }
0x10b: {  	v3 =	vor.u32 v3, v4  }
0x10c: {  	v4 =	vperm.xlane v3, v0;
	_ =	sdelay $0x1  }
0x10d: {  	v4 =	vadd.s32 v1, v4;
	_ =	sdelay $0x3  }
0x10e: {  	s4 =	simm.s32 $0xC080;
	v3 =	vperm.xlane v3, v2  }
0x10f: {  	[tilespmem:s4], [sflag:$0x1] =	stream.indirect_vreg.gather [hbm4b:s3+s2], $0x80, v4, vm0, $0xb8;
	[tilespmem:$0x18080] =	vst v63  }
0x110: {  	v3 =	vadd.s32 v1, v3;
	s4 =	simm.s32 $0xC880  }
0x111: {  	[tilespmem:s4], [sflag:$0x1] =	stream.indirect_vreg.gather [hbm4b:s5+s2], $0x80, v4, vm0, $0xb8;
	[tilespmem:$0x18080] =	vst v63  }
0x112: {  	s4 =	simm.s32 $0xD080  }
0x113: {  	[tilespmem:s4], [sflag:$0x1] =	stream.indirect_vreg.gather [hbm4b:s6+s2], $0x80, v4, vm0, $0xb8;
	[tilespmem:$0x18080] =	vst v63  }
0x114: {  	s4 =	simm.s32 $0xD880  }
0x115: {  	[tilespmem:s4], [sflag:$0x1] =	stream.indirect_vreg.gather [hbm4b:s3+s2], $0x80, v3, vm0, $0xb8;
	[tilespmem:$0x18080] =	vst v63  }
0x116: {  	s4 =	simm.s32 $0xE080  }
0x117: {  	[tilespmem:s4], [sflag:$0x1] =	stream.indirect_vreg.gather [hbm4b:s5+s2], $0x80, v3, vm0, $0xb8;
	[tilespmem:$0x18080] =	vst v63  }
0x118: {  	s4 =	simm.s32 $0xE880  }
0x119: {  	[tilespmem:s4], [sflag:$0x1] =	stream.indirect_vreg.gather [hbm4b:s6+s2], $0x80, v3, vm0, $0xb8;
	[tilespmem:$0x18080] =	vst v63  }
0x11a: {  	v3 =	vld [tilespmem:$0x50];
	_ =	sdelay $0x4  }
0x11b: {  	v61 =	vshrl.u32 v3, $0x3  }
0x11c: {  	v4 =	vmul.u32 $0x30, v61  }
0x11d: {  	v3 =	vand.u32 $0x7, v3  }
0x11e: {  	v3 =	vor.u32 v3, v4  }
0x11f: {  	v4 =	vperm.xlane v3, v0;
	_ =	sdelay $0x1  }
0x120: {  	v4 =	vadd.s32 v1, v4;
	_ =	sdelay $0x3  }
0x121: {  	s4 =	simm.s32 $0xF080;
	v3 =	vperm.xlane v3, v2  }
0x122: {  	[tilespmem:s4], [sflag:$0x1] =	stream.indirect_vreg.gather [hbm4b:s3+s2], $0x80, v4, vm0, $0xb8;
	[tilespmem:$0x18080] =	vst v63  }
0x123: {  	v3 =	vadd.s32 v1, v3;
	s4 =	simm.s32 $0xF880  }
0x124: {  	[tilespmem:s4], [sflag:$0x1] =	stream.indirect_vreg.gather [hbm4b:s5+s2], $0x80, v4, vm0, $0xb8;
	[tilespmem:$0x18080] =	vst v63  }
0x125: {  	s4 =	simm.s32 $0x10080  }
0x126: {  	[tilespmem:s4], [sflag:$0x1] =	stream.indirect_vreg.gather [hbm4b:s6+s2], $0x80, v4, vm0, $0xb8;
	[tilespmem:$0x18080] =	vst v63  }
0x127: {  	s4 =	simm.s32 $0x10880  }
0x128: {  	[tilespmem:s4], [sflag:$0x1] =	stream.indirect_vreg.gather [hbm4b:s3+s2], $0x80, v3, vm0, $0xb8;
	[tilespmem:$0x18080] =	vst v63  }
0x129: {  	s4 =	simm.s32 $0x11080  }
0x12a: {  	[tilespmem:s4], [sflag:$0x1] =	stream.indirect_vreg.gather [hbm4b:s5+s2], $0x80, v3, vm0, $0xb8;
	[tilespmem:$0x18080] =	vst v63  }
0x12b: {  	s4 =	simm.s32 $0x11880  }
0x12c: {  	[tilespmem:s4], [sflag:$0x1] =	stream.indirect_vreg.gather [hbm4b:s6+s2], $0x80, v3, vm0, $0xb8;
	[tilespmem:$0x18080] =	vst v63  }
0x12d: {  	v3 =	vld [tilespmem:$0x60];
	_ =	sdelay $0x4  }
0x12e: {  	v62 =	vshrl.u32 v3, $0x3  }
0x12f: {  	v4 =	vmul.u32 $0x30, v62  }
0x130: {  	v3 =	vand.u32 $0x7, v3  }
0x131: {  	v3 =	vor.u32 v3, v4  }
0x132: {  	v4 =	vperm.xlane v3, v0;
	_ =	sdelay $0x1  }
0x133: {  	v4 =	vadd.s32 v1, v4;
	_ =	sdelay $0x3  }
0x134: {  	s4 =	simm.s32 $0x12080;
	v3 =	vperm.xlane v3, v2  }
0x135: {  	[tilespmem:s4], [sflag:$0x1] =	stream.indirect_vreg.gather [hbm4b:s3+s2], $0x80, v4, vm0, $0xb8;
	[tilespmem:$0x18080] =	vst v63  }
0x136: {  	v3 =	vadd.s32 v1, v3;
	s4 =	simm.s32 $0x12880  }
0x137: {  	[tilespmem:s4], [sflag:$0x1] =	stream.indirect_vreg.gather [hbm4b:s5+s2], $0x80, v4, vm0, $0xb8;
	[tilespmem:$0x18080] =	vst v63  }
0x138: {  	s4 =	simm.s32 $0x13080  }
0x139: {  	[tilespmem:s4], [sflag:$0x1] =	stream.indirect_vreg.gather [hbm4b:s6+s2], $0x80, v4, vm0, $0xb8;
	[tilespmem:$0x18080] =	vst v63  }
0x13a: {  	s4 =	simm.s32 $0x13880  }
0x13b: {  	[tilespmem:s4], [sflag:$0x1] =	stream.indirect_vreg.gather [hbm4b:s3+s2], $0x80, v3, vm0, $0xb8;
	[tilespmem:$0x18080] =	vst v63  }
0x13c: {  	s4 =	simm.s32 $0x14080  }
0x13d: {  	[tilespmem:s4], [sflag:$0x1] =	stream.indirect_vreg.gather [hbm4b:s5+s2], $0x80, v3, vm0, $0xb8;
	[tilespmem:$0x18080] =	vst v63  }
0x13e: {  	s4 =	simm.s32 $0x14880  }
0x13f: {  	[tilespmem:s4], [sflag:$0x1] =	stream.indirect_vreg.gather [hbm4b:s6+s2], $0x80, v3, vm0, $0xb8;
	[tilespmem:$0x18080] =	vst v63  }
0x140: {  	v3 =	vld [tilespmem:$0x70];
	_ =	sdelay $0x4  }
0x141: {  	v63 =	vshrl.u32 v3, $0x3  }
0x142: {  	v4 =	vmul.u32 $0x30, v63  }
0x143: {  	v3 =	vand.u32 $0x7, v3  }
0x144: {  	v3 =	vor.u32 v3, v4  }
0x145: {  	v4 =	vperm.xlane v3, v0;
	_ =	sdelay $0x1  }
0x146: {  	v4 =	vadd.s32 v1, v4;
	_ =	sdelay $0x3  }
0x147: {  	s4 =	simm.s32 $0x15080;
	v3 =	vperm.xlane v3, v2  }
0x148: {  	[tilespmem:s4], [sflag:$0x1] =	stream.indirect_vreg.gather [hbm4b:s3+s2], $0x80, v4, vm0, $0xb8;
	[tilespmem:$0x18080] =	vst v63  }
0x149: {  	v3 =	vadd.s32 v1, v3;
	s4 =	simm.s32 $0x15880  }
0x14a: {  	[tilespmem:s4], [sflag:$0x1] =	stream.indirect_vreg.gather [hbm4b:s5+s2], $0x80, v4, vm0, $0xb8;
	[tilespmem:$0x18080] =	vst v63  }
0x14b: {  	s4 =	simm.s32 $0x16080  }
0x14c: {  	[tilespmem:s4], [sflag:$0x1] =	stream.indirect_vreg.gather [hbm4b:s6+s2], $0x80, v4, vm0, $0xb8;
	[tilespmem:$0x18080] =	vst v63  }
0x14d: {  	s4 =	simm.s32 $0x16880  }
0x14e: {  	[tilespmem:s4], [sflag:$0x1] =	stream.indirect_vreg.gather [hbm4b:s3+s2], $0x80, v3, vm0, $0xb8;
	[tilespmem:$0x18080] =	vst v63  }
0x14f: {  	s4 =	simm.s32 $0x17080  }
0x150: {  	[tilespmem:s4], [sflag:$0x1] =	stream.indirect_vreg.gather [hbm4b:s5+s2], $0x80, v3, vm0, $0xb8;
	[tilespmem:$0x18080] =	vst v63  }
0x151: {  	s4 =	simm.s32 $0x17880  }
0x152: {  	[tilespmem:s4], [sflag:$0x1] =	stream.indirect_vreg.gather [hbm4b:s6+s2], $0x80, v3, vm0, $0xb8;
	[tilespmem:$0x18080] =	vst v63  }
0x153: {  	_ =	swait.ge [sflag:s10], $0x18000  }
0x154: {  	p0 =	sne.s32 s7, $0x1;
	s0 =	simm.s32 $0x80;
	[sflag:s10] =	ssyncset.done $0x0  }
.Ltmp0:
0x155: {  	s1 =	rddreg [dreg:$0x5];
	[sflag:s10] =	ssyncadd.s32 $0xFFFE8000;
	(pc) =	sbr.rel @p0 .LBB2_1-.Ltmp0, $4  }
0x156: {  	[hbm4b:s1+s2] =	stream.linear.scatter [tilespmem:s0], [sflag:$0x2], $0x18000, $0x38;
	[tilespmem:$0x18080] =	vst v63  }
0x157: {  	_ =	swait.ge [sflag:s8], $0x18000  }
0x158: {  	[sflag:s8] =	ssyncset.done $0x0  }
0x159: {  	s7 =	sadd.s32 $0xFFFFFFFF, s7;
	[sflag:s8] =	ssyncadd.s32 $0xFFFE8000  }
0x15a: {  	_ =	sfence.sel $0x180000  }
0x15b: {  	[bflag:$0x0] =	sbarrier.arrive $0xFFFF  }
0x15c: {  	_ =	strace $0x9000004A  }
0x15d: {  	s0 =	stileid.u32;
	[bflag:$0x2] =	sbarrier.arrive $0xFFFF  }
0x15e: {  	p0 =	sne.s32 s0, $0x0;
	s0 =	rddreg [dreg:$0x2]  }
0x15f: {  	s0 =	sadd.s32 @!p0 $0x100000, s0  }
0x160: {  	[sflag:s0] =	ssyncadd.tile.s32 @!p0 $0x1;
	_ =	shalt  }
.Lfunc_end2:
_tile_overlayer_lowered:
.L_overlay_start_2:
0x161: {  	(tag) =	ssettag $0x2  }
0x162: {  	s0 =	rddreg [dreg:$0x0];
	s2 =	stileid.u32  }
0x163: {  	s1 =	rddreg [dreg:$0x1];
	p0 =	sne.s32 s2, $0x0  }
0x164: {  	s3 =	rddreg [dreg:$0x2];
	[bflag:$0x3] =	sbarrier.arrive $0xFFFF;
	s2 =	simm.s32 @!p0 $0x1C02  }
0x165: {  	[timem:s3], [sflag:s2] =	dma.local @!p0 [hbm:s0], s1  }
0x166: {  	s0 =	simm.s32 @!p0 $0x2  }
0x167: {  	_ =	swait.ge @!p0 [sflag:s0], s1  }
0x168: {  	s1 =	ssub.s32 @!p0 $0x0, s1;
	[sflag:s0] =	ssyncset.done @!p0 $0x0  }
0x169: {  	[sflag:s0] =	ssyncadd.s32 @!p0 s1  }
0x16a: {  	[bflag:$0x3] =	sbarrier.arrive $0xFFFF  }
0x16b: {  	_ =	shalt  }

// kernel: kernel.7.cloned.1.call-start
scs
__scs_entry_jumppad:
0x0: {  	(pc) =	sbr.rel $0x88, $3  }
0x1: {  	(tag) =	ssettag $0x0;
	lr =	simm.s32 $0x1  }
0x2: {  	[smem:$0x3F9D] =	sst lr;
	_ =	strace $0xD0000000  }
0x3: {  	_ = 	snop  }
0x4: {  	_ = 	snop  }
0x5: {  	_ = 	snop  }
0x6: {  	_ = 	snop  }
0x7: {  	_ = 	snop  }
__scs_overlays_trampoline_lowered:
0x8: {  	[smem:$0x3FAC] =	sst s0  }
0x9: {  	[smem:$0x3FAD] =	sst s1  }
0xa: {  	[smem:$0x3FAE] =	sst s2  }
0xb: {  	[smem:$0x3FAF] =	sst s3  }
0xc: {  	[smem:$0x3FB0] =	sst s4  }
0xd: {  	[smem:$0x3FB1] =	sst s5  }
0xe: {  	[smem:$0x3FB2] =	sst s6  }
0xf: {  	[smem:$0x3FB3] =	sst s7  }
0x10: {  	[smem:$0x3FB4] =	sst s8  }
0x11: {  	[smem:$0x3FB5] =	sst s9;
	s0 =	simm.s32 @!p0 $0x0  }
0x12: {  	s1 =	sld [smem:$0x3F9B];
	s0 =	simm.s32 @p0 $0x1  }
0x13: {  	[smem:$0x3FB6] =	sst s0;
	s0 =	simm.s32 @!p1 $0x0  }
0x14: {  	s2 =	sld [smem:$0x3F9A];
	s0 =	simm.s32 @p1 $0x1  }
0x15: {  	[smem:$0x3FB7] =	sst s0;
	s0 =	simm.s32 @!p2 $0x0  }
0x16: {  	s3 =	sld [smem:$0x3FDB];
	s0 =	simm.s32 @p2 $0x1  }
0x17: {  	s4 =	simm.s32 $0x1BF5;
	[smem:$0x3FB9] =	sst s0  }
0x18: {  	s0 =	sld [smem:$0x3F9C];
	_ =	swait.ge [sflag:s4], $0x0  }
0x19: {  	s7 =	sld [smem:$0x3F9D]  }
0x1a: {  	s8 =	sadd.s32 $0xFFFFE003, lr  }
0x1b: {  	s9 =	sadd.s32 $0xFFFFFEF7, lr;
	s5 =	simm.s32 $0xFFFFFFFF;
	p2 =	slt.u32 s8, $0xFFFFF086  }
0x1c: {  	p1 =	slt.u32 s9, $0xF7A;
	s5 =	simm.s32 @!p2 $0x0  }
0x1d: {  	s5 =	simm.s32 @p1 $0x1;
	p0 =	seq.s32 s7, s2  }
0x1e: {  	s7 =	smul.u32 @!p0 $0xF7A, s2;
	p2 =	seq.s32 @!p0 s5, $0x0  }
0x1f: {  	s9 =	smul.u32 $0xF7A, s1;
	s8 =	simm.s32 @!p0 $0x1BF5;
	p2 =	por !p2, p0  }
0x20: {  	[sflag:s8] =	ssyncset.s32 @!p0 $0xFFFFF086;
	s6 =	sadd.s32 @!p0 s3, s7;
	s7 =	simm.s32 @!p0 $0x108  }
0x21: {  	s3 =	sadd.s32 s3, s9;
	s6 =	sadd.s32 @!p0 $0x88, s6;
	s7 =	simm.s32 @p2 $0x1082  }
0x22: {  	[simem:s7], [sflag:s8] =	dma.local @!p0 [hbm:s6], $0xF7A  }
0x23: {  	s9 =	sor.u32 $0xD0000000, s2;
	s6 =	simm.s32 $0x108;
	_ =	swait.ge @!p0 [sflag:s8], $0x0  }
0x24: {  	s3 =	sadd.s32 $0x88, s3;
	s6 =	simm.s32 @!p1 $0x1082;
	[sflag:s4] =	ssyncset.s32 $0xFFFFF086  }
0x25: {  	[simem:s6], [sflag:s4] =	dma.local [hbm:s3], $0xF7A  }
0x26: {  	[smem:$0x3F9D] =	sst s1;
	(tag) =	ssettag s2;
	_ =	strace s9  }
0x27: {  	s1 =	sld [smem:$0x3FAD]  }
0x28: {  	s2 =	sld [smem:$0x3FAE]  }
0x29: {  	s4 =	sld [smem:$0x3FB0]  }
0x2a: {  	p0 =	seq.s32 s5, $0x0;
	s5 =	sld [smem:$0x3FB1]  }
0x2b: {  	s6 =	sld [smem:$0x3FB2]  }
0x2c: {  	s7 =	sld [smem:$0x3FB3]  }
0x2d: {  	s3 =	simm.s32 $0x108;
	s8 =	sld [smem:$0x3FB4]  }
0x2e: {  	s3 =	simm.s32 @!p0 $0x1082;
	s9 =	sld [smem:$0x3FB5]  }
0x2f: {  	lr =	sadd.s32 s0, s3;
	s0 =	sld [smem:$0x3FAC]  }
0x30: {  	s3 =	sld [smem:$0x3FAF]  }
0x31: {  	[smem:$0x3FB8] =	sst s10  }
0x32: {  	s10 =	sld [smem:$0x3FB6];
	_ =	sdelay $0x3  }
0x33: {  	p0 =	seq.s32 s10, $0x1;
	s10 =	sld [smem:$0x3FB8];
	_ =	sdelay $0x3  }
0x34: {  	[smem:$0x3FB8] =	sst s10  }
0x35: {  	s10 =	sld [smem:$0x3FB7];
	_ =	sdelay $0x3  }
0x36: {  	p1 =	seq.s32 s10, $0x1;
	s10 =	sld [smem:$0x3FB8];
	_ =	sdelay $0x3  }
0x37: {  	[smem:$0x3FB8] =	sst s10  }
0x38: {  	s10 =	sld [smem:$0x3FB9]  }
0x39: {  	_ = 	snop;
	(pc) =	sbr.ind lr, $3  }
0x3a: {  	_ = 	snop  }
0x3b: {  	_ = 	snop  }
0x3c: {  	p2 =	seq.s32 s10, $0x1;
	s10 =	sld [smem:$0x3FB8]  }
0x3d: {  	_ =	shalt  }
0x3e: {  	_ =	shalt  }
0x3f: {  	_ =	shalt  }
0x40: {  	_ =	shalt  }
0x41: {  	_ =	shalt  }
0x42: {  	_ =	shalt  }
0x43: {  	_ =	shalt  }
0x44: {  	_ =	shalt  }
0x45: {  	_ =	shalt  }
0x46: {  	_ =	shalt  }
0x47: {  	_ =	shalt  }
0x48: {  	_ =	shalt  }
0x49: {  	_ =	shalt  }
0x4a: {  	_ =	shalt  }
0x4b: {  	_ =	shalt  }
0x4c: {  	_ =	shalt  }
0x4d: {  	_ =	shalt  }
0x4e: {  	_ =	shalt  }
0x4f: {  	_ =	shalt  }
0x50: {  	_ =	shalt  }
0x51: {  	_ =	shalt  }
0x52: {  	_ =	shalt  }
0x53: {  	_ =	shalt  }
0x54: {  	_ =	shalt  }
0x55: {  	_ =	shalt  }
0x56: {  	_ =	shalt  }
0x57: {  	_ =	shalt  }
0x58: {  	_ =	shalt  }
0x59: {  	_ =	shalt  }
0x5a: {  	_ =	shalt  }
0x5b: {  	_ =	shalt  }
0x5c: {  	_ =	shalt  }
0x5d: {  	_ =	shalt  }
0x5e: {  	_ =	shalt  }
0x5f: {  	_ =	shalt  }
0x60: {  	_ =	shalt  }
0x61: {  	_ =	shalt  }
0x62: {  	_ =	shalt  }
0x63: {  	_ =	shalt  }
0x64: {  	_ =	shalt  }
0x65: {  	_ =	shalt  }
0x66: {  	_ =	shalt  }
0x67: {  	_ =	shalt  }
0x68: {  	_ =	shalt  }
0x69: {  	_ =	shalt  }
0x6a: {  	_ =	shalt  }
0x6b: {  	_ =	shalt  }
0x6c: {  	_ =	shalt  }
0x6d: {  	_ =	shalt  }
0x6e: {  	_ =	shalt  }
0x6f: {  	_ =	shalt  }
0x70: {  	_ =	shalt  }
0x71: {  	_ =	shalt  }
0x72: {  	_ =	shalt  }
0x73: {  	_ =	shalt  }
0x74: {  	_ =	shalt  }
0x75: {  	_ =	shalt  }
0x76: {  	_ =	shalt  }
0x77: {  	_ =	shalt  }
0x78: {  	_ =	shalt  }
0x79: {  	_ =	shalt  }
0x7a: {  	_ =	shalt  }
0x7b: {  	_ =	shalt  }
0x7c: {  	_ =	shalt  }
0x7d: {  	_ =	shalt  }
0x7e: {  	_ =	shalt  }
0x7f: {  	_ =	shalt  }
0x80: {  	_ =	shalt  }
0x81: {  	_ =	shalt  }
0x82: {  	_ =	shalt  }
0x83: {  	_ =	shalt  }
0x84: {  	_ =	shalt  }
0x85: {  	_ =	shalt  }
0x86: {  	_ =	shalt  }
0x87: {  	_ =	shalt  }
.Lfunc_end0:
.L_simem_size_0:
called_computation_lowered:
.L_overlay_start_0:
0x88: {  	s2 =	sld [smem:$0x3FD9]  }
0x89: {  	s3 =	sld [smem:$0x3FFE];
	_ =	sdelay $0x1  }
0x8a: {  	s1 =	srdreg.scid  }
0x8b: {  	s0 =	sand.u32 $0x1, s1  }
0x8c: {  	s17 =	sshll.u32 s0, $0xA;
	s2 =	sadd.s32 s3, s2  }
0x8d: {  	s2 =	sadd.s32 s2, s17  }
0x8e: {  	[smem:$0x3FC4] =	sst s2  }
0x8f: {  	_ = 	snop  }
0x90: {  	s2 =	sld [smem:$0x3FC9];
	(tm) =	ssettm $0x1  }
0x91: {  	s18 =	sld [smem:$0x3FFB];
	_ =	sdelay $0x3  }
0x92: {  	_ =	strace s18  }
0x93: {  	s3 =	sld [smem:$0x3FFC];
	_ =	sdelay $0x3  }
0x94: {  	_ =	strace s3  }
0x95: {  	s3 =	sld [smem:$0x3FFD];
	_ =	sdelay $0x3  }
0x96: {  	_ =	strace s3  }
0x97: {  	_ =	strace $0x8FFFFFFF  }
0x98: {  	s19 =	sld [smem:$0x3FDB];
	_ =	sdelay $0x1  }
0x99: {  	s4 =	simm.s32 $_scs_section_size  }
0x9a: {  	s5 =	simm.s32 $_size__tile_overlayer_lowered;
	s6 =	simm.s32 $_tile_overlayer_lowered  }
0x9b: {  	s22 =	simm.s32 $0x1BFF;
	s21 =	sshll.u32 s6, $0x1;
	s3 =	sadd.s32 s4, s19  }
0x9c: {  	s7 =	simm.s32 $0x0;
	s20 =	sshll.u32 s5, $0x1;
	s5 =	sadd.s32 s21, s3  }
0x9d: {  	[timem:s7], [sflag:s22] =	dma.local [hbm:s5], s20  }
0x9e: {  	_ =	swait.ge [sflag:s22], s20  }
0x9f: {  	s4 =	ssub.s32 $0x0, s20;
	[sflag:s22] =	ssyncset.done $0x0  }
0xa0: {  	[sflag:s22] =	ssyncadd.s32 s4;
	_ =	sdelay $0x1  }
0xa1: {  	s23 =	simm.s32 $0x1B8B  }
0xa2: {  	_ =	swait.ge [sflag:s23], $0x1  }
0xa3: {  	[sflag:s23] =	ssyncset.done $0x0  }
0xa4: {  	s25 =	simm.s32 $0x1B8E;
	s24 =	sld [smem:$0x3FFE];
	[sflag:s23] =	ssyncadd.s32 $0xFFFFFFFF  }
0xa5: {  	s26 =	simm.s32 $execute0_lowered;
	[smem:$0x3FD2] =	sst s25  }
0xa6: {  	s5 =	sshll.u32 s26, $0x1;
	_ =	strace $0x80000046;
	[dreg:$0x1] =	wrdreg $0xFFFFFFFF  }
0xa7: {  	s28 =	simm.s32 $_size_execute0_lowered;
	s3 =	sadd.s32 s3, s5;
	[dreg:$0x0] =	wrdreg $0x0  }
0xa8: {  	s5 =	sshll.u32 s28, $0x1;
	[dreg:$0x2] =	wrdreg s3  }
0xa9: {  	[dreg:$0x3] =	wrdreg s5  }
0xaa: {  	[dreg:$0x4] =	wrdreg $0xC0  }
0xab: {  	_ =	task [dreg:s7], $0x5FFFF  }
0xac: {  	[dreg:$0x1] =	wrdreg $0xFFFFFFFF  }
0xad: {  	[dreg:$0x0] =	wrdreg $0x60  }
0xae: {  	[dreg:$0x2] =	wrdreg s2  }
0xaf: {  	[dreg:$0x3] =	wrdreg s24  }
0xb0: {  	[dreg:$0x4] =	wrdreg $0x9  }
0xb1: {  	_ =	task.clear_ibuf [dreg:s7], $0x5FFFF;
	_ =	strace $0x90000046  }
0xb2: {  	s29 =	simm.s32 $0x9;
	_ =	strace $0x80000048  }
0xb3: {  	_ =	swait.ge [sflag:s29], $0x1  }
0xb4: {  	[sflag:s29] =	ssyncadd.s32 $0xFFFFFFFF  }
0xb5: {  	_ =	strace $0x90000048  }
0xb6: {  	_ =	sfence  }
0xb7: {  	s30 =	sld [smem:$0x0];
	_ =	sdelay $0x2  }
0xb8: {  	s31 =	sshll.u32 s1, $0xD;
	s1 =	sshrl.u32 s1, $0x2  }
0xb9: {  	s3 =	sand.u32 $0x4000, s31;
	s1 =	sadd.s32 s1, s30  }
0xba: {  	s0 =	sor.u32 s3, s0;
	s1 =	sshll.u32 s1, $0x11  }
0xbb: {  	s0 =	sor.u32 s1, s0  }
0xbc: {  	s0 =	sadd.s32 $0x8F2B, s0  }
0xbd: {  	[sflag:s0] =	ssyncadd.remote.s32 $0x1  }
0xbe: {  	_ =	sfence.sel $0xFFFF  }
0xbf: {  	[dreg:$0x0] =	wrdreg $0xFFFFFFFF;
	(pc) =	sbr.abs _section_cstart, $3  }
0xc0: {  	[dreg:$0x1] =	wrdreg $0xFFFFFFFF  }
0xc1: {  	_ =	task.clear_ibuf [dreg:s7], $0x2FFFF;
	_ =	strace $0x9FFFFFFF  }
0xc2: {  	(tm) =	ssettm $0x7FFFFFFF  }
0xc3: {  	_ =	shalt  }
tec
execute0_lowered:
.L_overlay_start_1:
0x0: {  	(tag) =	ssettag $0x1  }
0x1: {  	s0 =	srdreg.scid  }
0x2: {  	s1 =	rddreg [dreg:$0x0];
	s2 =	stileid.u32  }
0x3: {  	s4 =	rddreg [dreg:$0x1];
	s9 =	simm.s32 $0x2;
	s10 =	simm.s32 $0x1  }
0x4: {  	s12 =	simm.s32 $0x880;
	s13 =	simm.s32 $0x1080;
	s14 =	simm.s32 $0x1880  }
0x5: {  	s15 =	simm.s32 $0x2080;
	s16 =	simm.s32 $0x3080;
	s17 =	simm.s32 $0x3880  }
0x6: {  	s18 =	simm.s32 $0x4080;
	s19 =	simm.s32 $0x4880;
	s20 =	simm.s32 $0x5080  }
0x7: {  	s21 =	simm.s32 $0x5880;
	s22 =	simm.s32 $0x6080;
	s23 =	simm.s32 $0x6880  }
0x8: {  	s24 =	simm.s32 $0x7080;
	s25 =	simm.s32 $0x7880;
	s28 =	simm.s32 $0x8880  }
0x9: {  	s29 =	simm.s32 $0x9080;
	s30 =	simm.s32 $0x9880;
	s31 =	simm.s32 $0xA080  }
0xa: {  	s0 =	sand.u32 $0x1, s0;
	s3 =	sshll.u32 s2, $0x5;
	s2 =	simm.s32 $0x0  }
0xb: {  	s5 =	sshll.u32 s0, $0x4;
	[smem:$0x7FF] =	sst s2;
	s0 =	ssub.s32 $0x2, s0  }
0xc: {  	s5 =	sor.u32 s5, s3;
	_ =	strace $0x80000047;
	s3 =	sadd.s32 $0x400, s4  }
0xd: {  	s7 =	sshrl.u32 s0, $0x1;
	s6 =	smul.u32 $0x300, s5;
	s5 =	sadd.s32 s4, s5  }
0xe: {  	s0 =	ssub.s32 s0, s7;
	[dreg:$0x5] =	wrdreg s5;
	s26 =	sadd.s32 $0x200, s5  }
0xf: {  	v2 =	vlaneseq.u32;
	s5 =	sadd.s32 $0x500, s4;
	s7 =	smax.u32 s0, $0x1;
	s1 =	sadd.s32 s1, s6  }
0x10: {  	vm0 =	vmmov $0xffff;
	v1 =	vshrl.u32 v2, $0x3;
	[dreg:$0x4] =	wrdreg s26;
	s6 =	sadd.s32 $0x600, s4;
	s4 =	simm.s32 $0x2880  }
0x11: {  	v0 =	vand.u32 $0x7, v2;
	v2 =	vor.u32 $0x8, v2;
	v1 =	vmul.u32 $0x8, v1;
	s26 =	simm.s32 $0x8080;
	[dreg:$0x3] =	wrdreg s1;
	s1 =	simm.s32 $0xA880  }
.LBB2_1:
0x12: {  	s11 =	rddreg [dreg:$0x3];
	s0 =	simm.s32 $0x80  }
0x13: {  	[tilespmem:s0], [sflag:$0x2] =	stream.linear.gather [hbm4b:s11+s2], $0x18000, $0x38;
	[tilespmem:$0x18080] =	vst v63  }
0x14: {  	_ =	swait.ge [sflag:s9], $0x18000  }
0x15: {  	[sflag:s9] =	ssyncset.done $0x0  }
0x16: {  	s8 =	rddreg [dreg:$0x4];
	[sflag:s9] =	ssyncadd.s32 $0xFFFE8000  }
0x17: {  	[tilespmem:s2], [sflag:$0x2] =	stream.linear.gather [hbm4b:s8+s2], $0x80, $0x38;
	[tilespmem:$0x18080] =	vst v63  }
0x18: {  	_ =	swait.ge [sflag:s9], $0x80  }
0x19: {  	[sflag:s9] =	ssyncset.done $0x0  }
0x1a: {  	[sflag:s9] =	ssyncadd.s32 $0xFFFFFF80  }
0x1b: {  	v3 =	vld [tilespmem:$0x0];
	_ =	sdelay $0x4  }
0x1c: {  	v4 =	vshrl.u32 v3, $0x3  }
0x1d: {  	v4 =	vmul.u32 $0x30, v4  }
0x1e: {  	v3 =	vand.u32 $0x7, v3  }
0x1f: {  	v3 =	vor.u32 v3, v4  }
0x20: {  	v4 =	vperm.xlane v3, v0;
	_ =	sdelay $0x1  }
0x21: {  	v4 =	vadd.s32 v1, v4;
	_ =	sdelay $0x3  }
0x22: {  	v3 =	vperm.xlane v3, v2  }
0x23: {  	[hbm4b:s3+s2] =	stream.indirect_vreg.scatter [tilespmem:s0], [sflag:$0x1], $0x80, v4, vm0, $0xb8;
	[tilespmem:$0x18080] =	vst v63  }
0x24: {  	v3 =	vadd.s32 v1, v3  }
0x25: {  	[hbm4b:s5+s2] =	stream.indirect_vreg.scatter [tilespmem:s12], [sflag:$0x1], $0x80, v4, vm0, $0xb8;
	[tilespmem:$0x18080] =	vst v63  }
0x26: {  	_ = 	snop  }
0x27: {  	[hbm4b:s6+s2] =	stream.indirect_vreg.scatter [tilespmem:s13], [sflag:$0x1], $0x80, v4, vm0, $0xb8;
	[tilespmem:$0x18080] =	vst v63  }
0x28: {  	_ = 	snop  }
0x29: {  	[hbm4b:s3+s2] =	stream.indirect_vreg.scatter [tilespmem:s14], [sflag:$0x1], $0x80, v3, vm0, $0xb8;
	[tilespmem:$0x18080] =	vst v63  }
0x2a: {  	_ = 	snop  }
0x2b: {  	[hbm4b:s5+s2] =	stream.indirect_vreg.scatter [tilespmem:s15], [sflag:$0x1], $0x80, v3, vm0, $0xb8;
	[tilespmem:$0x18080] =	vst v63  }
0x2c: {  	_ = 	snop  }
0x2d: {  	[hbm4b:s6+s2] =	stream.indirect_vreg.scatter [tilespmem:s4], [sflag:$0x1], $0x80, v3, vm0, $0xb8;
	[tilespmem:$0x18080] =	vst v63  }
0x2e: {  	v3 =	vld [tilespmem:$0x10];
	_ =	sdelay $0x4  }
0x2f: {  	v49 =	vshrl.u32 v3, $0x3  }
0x30: {  	v4 =	vmul.u32 $0x30, v49  }
0x31: {  	v3 =	vand.u32 $0x7, v3  }
0x32: {  	v3 =	vor.u32 v3, v4  }
0x33: {  	v4 =	vperm.xlane v3, v0;
	_ =	sdelay $0x1  }
0x34: {  	v4 =	vadd.s32 v1, v4;
	_ =	sdelay $0x3  }
0x35: {  	v3 =	vperm.xlane v3, v2  }
0x36: {  	[hbm4b:s3+s2] =	stream.indirect_vreg.scatter [tilespmem:s16], [sflag:$0x1], $0x80, v4, vm0, $0xb8;
	[tilespmem:$0x18080] =	vst v63  }
0x37: {  	v3 =	vadd.s32 v1, v3  }
0x38: {  	[hbm4b:s5+s2] =	stream.indirect_vreg.scatter [tilespmem:s17], [sflag:$0x1], $0x80, v4, vm0, $0xb8;
	[tilespmem:$0x18080] =	vst v63  }
0x39: {  	_ = 	snop  }
0x3a: {  	[hbm4b:s6+s2] =	stream.indirect_vreg.scatter [tilespmem:s18], [sflag:$0x1], $0x80, v4, vm0, $0xb8;
	[tilespmem:$0x18080] =	vst v63  }
0x3b: {  	_ = 	snop  }
0x3c: {  	[hbm4b:s3+s2] =	stream.indirect_vreg.scatter [tilespmem:s19], [sflag:$0x1], $0x80, v3, vm0, $0xb8;
	[tilespmem:$0x18080] =	vst v63  }
0x3d: {  	_ = 	snop  }
0x3e: {  	[hbm4b:s5+s2] =	stream.indirect_vreg.scatter [tilespmem:s20], [sflag:$0x1], $0x80, v3, vm0, $0xb8;
	[tilespmem:$0x18080] =	vst v63  }
0x3f: {  	_ = 	snop  }
0x40: {  	[hbm4b:s6+s2] =	stream.indirect_vreg.scatter [tilespmem:s21], [sflag:$0x1], $0x80, v3, vm0, $0xb8;
	[tilespmem:$0x18080] =	vst v63  }
0x41: {  	v3 =	vld [tilespmem:$0x20];
	_ =	sdelay $0x4  }
0x42: {  	v50 =	vshrl.u32 v3, $0x3  }
0x43: {  	v4 =	vmul.u32 $0x30, v50  }
0x44: {  	v3 =	vand.u32 $0x7, v3  }
0x45: {  	v3 =	vor.u32 v3, v4  }
0x46: {  	v4 =	vperm.xlane v3, v0;
	_ =	sdelay $0x1  }
0x47: {  	v4 =	vadd.s32 v1, v4;
	_ =	sdelay $0x3  }
0x48: {  	v3 =	vperm.xlane v3, v2  }
0x49: {  	[hbm4b:s3+s2] =	stream.indirect_vreg.scatter [tilespmem:s22], [sflag:$0x1], $0x80, v4, vm0, $0xb8;
	[tilespmem:$0x18080] =	vst v63  }
0x4a: {  	v3 =	vadd.s32 v1, v3  }
0x4b: {  	[hbm4b:s5+s2] =	stream.indirect_vreg.scatter [tilespmem:s23], [sflag:$0x1], $0x80, v4, vm0, $0xb8;
	[tilespmem:$0x18080] =	vst v63  }
0x4c: {  	_ = 	snop  }
0x4d: {  	[hbm4b:s6+s2] =	stream.indirect_vreg.scatter [tilespmem:s24], [sflag:$0x1], $0x80, v4, vm0, $0xb8;
	[tilespmem:$0x18080] =	vst v63  }
0x4e: {  	_ = 	snop  }
0x4f: {  	[hbm4b:s3+s2] =	stream.indirect_vreg.scatter [tilespmem:s25], [sflag:$0x1], $0x80, v3, vm0, $0xb8;
	[tilespmem:$0x18080] =	vst v63  }
0x50: {  	_ = 	snop  }
0x51: {  	[hbm4b:s5+s2] =	stream.indirect_vreg.scatter [tilespmem:s26], [sflag:$0x1], $0x80, v3, vm0, $0xb8;
	[tilespmem:$0x18080] =	vst v63  }
0x52: {  	_ = 	snop  }
0x53: {  	[hbm4b:s6+s2] =	stream.indirect_vreg.scatter [tilespmem:s28], [sflag:$0x1], $0x80, v3, vm0, $0xb8;
	[tilespmem:$0x18080] =	vst v63  }
0x54: {  	v3 =	vld [tilespmem:$0x30];
	_ =	sdelay $0x4  }
0x55: {  	v51 =	vshrl.u32 v3, $0x3  }
0x56: {  	v4 =	vmul.u32 $0x30, v51  }
0x57: {  	v3 =	vand.u32 $0x7, v3  }
0x58: {  	v3 =	vor.u32 v3, v4  }
0x59: {  	v4 =	vperm.xlane v3, v0;
	_ =	sdelay $0x1  }
0x5a: {  	v4 =	vadd.s32 v1, v4;
	_ =	sdelay $0x3  }
0x5b: {  	v3 =	vperm.xlane v3, v2  }
0x5c: {  	[hbm4b:s3+s2] =	stream.indirect_vreg.scatter [tilespmem:s29], [sflag:$0x1], $0x80, v4, vm0, $0xb8;
	[tilespmem:$0x18080] =	vst v63  }
0x5d: {  	v3 =	vadd.s32 v1, v3  }
0x5e: {  	[hbm4b:s5+s2] =	stream.indirect_vreg.scatter [tilespmem:s30], [sflag:$0x1], $0x80, v4, vm0, $0xb8;
	[tilespmem:$0x18080] =	vst v63  }
0x5f: {  	_ = 	snop  }
0x60: {  	[hbm4b:s6+s2] =	stream.indirect_vreg.scatter [tilespmem:s31], [sflag:$0x1], $0x80, v4, vm0, $0xb8;
	[tilespmem:$0x18080] =	vst v63  }
0x61: {  	_ = 	snop  }
0x62: {  	[hbm4b:s3+s2] =	stream.indirect_vreg.scatter [tilespmem:s1], [sflag:$0x1], $0x80, v3, vm0, $0xb8;
	[tilespmem:$0x18080] =	vst v63  }
0x63: {  	s8 =	simm.s32 $0xB080  }
0x64: {  	[hbm4b:s5+s2] =	stream.indirect_vreg.scatter [tilespmem:s8], [sflag:$0x1], $0x80, v3, vm0, $0xb8;
	[tilespmem:$0x18080] =	vst v63  }
0x65: {  	s8 =	simm.s32 $0xB880  }
0x66: {  	[hbm4b:s6+s2] =	stream.indirect_vreg.scatter [tilespmem:s8], [sflag:$0x1], $0x80, v3, vm0, $0xb8;
	[tilespmem:$0x18080] =	vst v63  }
0x67: {  	v3 =	vld [tilespmem:$0x40];
	_ =	sdelay $0x4  }
0x68: {  	v52 =	vshrl.u32 v3, $0x3  }
0x69: {  	v4 =	vmul.u32 $0x30, v52  }
0x6a: {  	v3 =	vand.u32 $0x7, v3  }
0x6b: {  	v3 =	vor.u32 v3, v4  }
0x6c: {  	v4 =	vperm.xlane v3, v0;
	_ =	sdelay $0x1  }
0x6d: {  	v4 =	vadd.s32 v1, v4;
	_ =	sdelay $0x3  }
0x6e: {  	s11 =	simm.s32 $0xC080;
	v3 =	vperm.xlane v3, v2  }
0x6f: {  	[hbm4b:s3+s2] =	stream.indirect_vreg.scatter [tilespmem:s11], [sflag:$0x1], $0x80, v4, vm0, $0xb8;
	[tilespmem:$0x18080] =	vst v63  }
0x70: {  	v3 =	vadd.s32 v1, v3;
	s11 =	simm.s32 $0xC880  }
0x71: {  	[hbm4b:s5+s2] =	stream.indirect_vreg.scatter [tilespmem:s11], [sflag:$0x1], $0x80, v4, vm0, $0xb8;
	[tilespmem:$0x18080] =	vst v63  }
0x72: {  	s11 =	simm.s32 $0xD080  }
0x73: {  	[hbm4b:s6+s2] =	stream.indirect_vreg.scatter [tilespmem:s11], [sflag:$0x1], $0x80, v4, vm0, $0xb8;
	[tilespmem:$0x18080] =	vst v63  }
0x74: {  	s11 =	simm.s32 $0xD880  }
0x75: {  	[hbm4b:s3+s2] =	stream.indirect_vreg.scatter [tilespmem:s11], [sflag:$0x1], $0x80, v3, vm0, $0xb8;
	[tilespmem:$0x18080] =	vst v63  }
0x76: {  	s11 =	simm.s32 $0xE080  }
0x77: {  	[hbm4b:s5+s2] =	stream.indirect_vreg.scatter [tilespmem:s11], [sflag:$0x1], $0x80, v3, vm0, $0xb8;
	[tilespmem:$0x18080] =	vst v63  }
0x78: {  	s11 =	simm.s32 $0xE880  }
0x79: {  	[hbm4b:s6+s2] =	stream.indirect_vreg.scatter [tilespmem:s11], [sflag:$0x1], $0x80, v3, vm0, $0xb8;
	[tilespmem:$0x18080] =	vst v63  }
0x7a: {  	v3 =	vld [tilespmem:$0x50];
	_ =	sdelay $0x4  }
0x7b: {  	v53 =	vshrl.u32 v3, $0x3  }
0x7c: {  	v4 =	vmul.u32 $0x30, v53  }
0x7d: {  	v3 =	vand.u32 $0x7, v3  }
0x7e: {  	v3 =	vor.u32 v3, v4  }
0x7f: {  	v4 =	vperm.xlane v3, v0;
	_ =	sdelay $0x1  }
0x80: {  	v4 =	vadd.s32 v1, v4;
	_ =	sdelay $0x3  }
0x81: {  	s11 =	simm.s32 $0xF080;
	v3 =	vperm.xlane v3, v2  }
0x82: {  	[hbm4b:s3+s2] =	stream.indirect_vreg.scatter [tilespmem:s11], [sflag:$0x1], $0x80, v4, vm0, $0xb8;
	[tilespmem:$0x18080] =	vst v63  }
0x83: {  	v3 =	vadd.s32 v1, v3;
	s11 =	simm.s32 $0xF880  }
0x84: {  	[hbm4b:s5+s2] =	stream.indirect_vreg.scatter [tilespmem:s11], [sflag:$0x1], $0x80, v4, vm0, $0xb8;
	[tilespmem:$0x18080] =	vst v63  }
0x85: {  	s11 =	simm.s32 $0x10080  }
0x86: {  	[hbm4b:s6+s2] =	stream.indirect_vreg.scatter [tilespmem:s11], [sflag:$0x1], $0x80, v4, vm0, $0xb8;
	[tilespmem:$0x18080] =	vst v63  }
0x87: {  	s11 =	simm.s32 $0x10880  }
0x88: {  	[hbm4b:s3+s2] =	stream.indirect_vreg.scatter [tilespmem:s11], [sflag:$0x1], $0x80, v3, vm0, $0xb8;
	[tilespmem:$0x18080] =	vst v63  }
0x89: {  	s11 =	simm.s32 $0x11080  }
0x8a: {  	[hbm4b:s5+s2] =	stream.indirect_vreg.scatter [tilespmem:s11], [sflag:$0x1], $0x80, v3, vm0, $0xb8;
	[tilespmem:$0x18080] =	vst v63  }
0x8b: {  	s11 =	simm.s32 $0x11880  }
0x8c: {  	[hbm4b:s6+s2] =	stream.indirect_vreg.scatter [tilespmem:s11], [sflag:$0x1], $0x80, v3, vm0, $0xb8;
	[tilespmem:$0x18080] =	vst v63  }
0x8d: {  	v3 =	vld [tilespmem:$0x60];
	_ =	sdelay $0x4  }
0x8e: {  	v54 =	vshrl.u32 v3, $0x3  }
0x8f: {  	v4 =	vmul.u32 $0x30, v54  }
0x90: {  	v3 =	vand.u32 $0x7, v3  }
0x91: {  	v3 =	vor.u32 v3, v4  }
0x92: {  	v4 =	vperm.xlane v3, v0;
	_ =	sdelay $0x1  }
0x93: {  	v4 =	vadd.s32 v1, v4;
	_ =	sdelay $0x3  }
0x94: {  	s11 =	simm.s32 $0x12080;
	v3 =	vperm.xlane v3, v2  }
0x95: {  	[hbm4b:s3+s2] =	stream.indirect_vreg.scatter [tilespmem:s11], [sflag:$0x1], $0x80, v4, vm0, $0xb8;
	[tilespmem:$0x18080] =	vst v63  }
0x96: {  	v3 =	vadd.s32 v1, v3;
	s11 =	simm.s32 $0x12880  }
0x97: {  	[hbm4b:s5+s2] =	stream.indirect_vreg.scatter [tilespmem:s11], [sflag:$0x1], $0x80, v4, vm0, $0xb8;
	[tilespmem:$0x18080] =	vst v63  }
0x98: {  	s11 =	simm.s32 $0x13080  }
0x99: {  	[hbm4b:s6+s2] =	stream.indirect_vreg.scatter [tilespmem:s11], [sflag:$0x1], $0x80, v4, vm0, $0xb8;
	[tilespmem:$0x18080] =	vst v63  }
0x9a: {  	s11 =	simm.s32 $0x13880  }
0x9b: {  	[hbm4b:s3+s2] =	stream.indirect_vreg.scatter [tilespmem:s11], [sflag:$0x1], $0x80, v3, vm0, $0xb8;
	[tilespmem:$0x18080] =	vst v63  }
0x9c: {  	s11 =	simm.s32 $0x14080  }
0x9d: {  	[hbm4b:s5+s2] =	stream.indirect_vreg.scatter [tilespmem:s11], [sflag:$0x1], $0x80, v3, vm0, $0xb8;
	[tilespmem:$0x18080] =	vst v63  }
0x9e: {  	s11 =	simm.s32 $0x14880  }
0x9f: {  	[hbm4b:s6+s2] =	stream.indirect_vreg.scatter [tilespmem:s11], [sflag:$0x1], $0x80, v3, vm0, $0xb8;
	[tilespmem:$0x18080] =	vst v63  }
0xa0: {  	v3 =	vld [tilespmem:$0x70];
	_ =	sdelay $0x4  }
0xa1: {  	v55 =	vshrl.u32 v3, $0x3  }
0xa2: {  	v4 =	vmul.u32 $0x30, v55  }
0xa3: {  	v3 =	vand.u32 $0x7, v3  }
0xa4: {  	v3 =	vor.u32 v3, v4  }
0xa5: {  	v4 =	vperm.xlane v3, v0;
	_ =	sdelay $0x1  }
0xa6: {  	v4 =	vadd.s32 v1, v4;
	_ =	sdelay $0x3  }
0xa7: {  	s11 =	simm.s32 $0x15080;
	v3 =	vperm.xlane v3, v2  }
0xa8: {  	[hbm4b:s3+s2] =	stream.indirect_vreg.scatter [tilespmem:s11], [sflag:$0x1], $0x80, v4, vm0, $0xb8;
	[tilespmem:$0x18080] =	vst v63  }
0xa9: {  	v3 =	vadd.s32 v1, v3;
	s11 =	simm.s32 $0x15880  }
0xaa: {  	[hbm4b:s5+s2] =	stream.indirect_vreg.scatter [tilespmem:s11], [sflag:$0x1], $0x80, v4, vm0, $0xb8;
	[tilespmem:$0x18080] =	vst v63  }
0xab: {  	s11 =	simm.s32 $0x16080  }
0xac: {  	[hbm4b:s6+s2] =	stream.indirect_vreg.scatter [tilespmem:s11], [sflag:$0x1], $0x80, v4, vm0, $0xb8;
	[tilespmem:$0x18080] =	vst v63  }
0xad: {  	s11 =	simm.s32 $0x16880  }
0xae: {  	[hbm4b:s3+s2] =	stream.indirect_vreg.scatter [tilespmem:s11], [sflag:$0x1], $0x80, v3, vm0, $0xb8;
	[tilespmem:$0x18080] =	vst v63  }
0xaf: {  	s11 =	simm.s32 $0x17080  }
0xb0: {  	[hbm4b:s5+s2] =	stream.indirect_vreg.scatter [tilespmem:s11], [sflag:$0x1], $0x80, v3, vm0, $0xb8;
	[tilespmem:$0x18080] =	vst v63  }
0xb1: {  	s11 =	simm.s32 $0x17880  }
0xb2: {  	[hbm4b:s6+s2] =	stream.indirect_vreg.scatter [tilespmem:s11], [sflag:$0x1], $0x80, v3, vm0, $0xb8;
	[tilespmem:$0x18080] =	vst v63  }
0xb3: {  	_ =	swait.ge [sflag:s10], $0x18000  }
0xb4: {  	[sflag:s10] =	ssyncset.done $0x0  }
0xb5: {  	s11 =	rddreg [dreg:$0x5];
	[sflag:s10] =	ssyncadd.s32 $0xFFFE8000  }
0xb6: {  	[tilespmem:s2], [sflag:$0x2] =	stream.linear.gather [hbm4b:s11+s2], $0x80, $0x38;
	[tilespmem:$0x18080] =	vst v63  }
0xb7: {  	_ =	swait.ge [sflag:s9], $0x80  }
0xb8: {  	[sflag:s9] =	ssyncset.done $0x0  }
0xb9: {  	[sflag:s9] =	ssyncadd.s32 $0xFFFFFF80  }
0xba: {  	v3 =	vld [tilespmem:$0x0];
	_ =	sdelay $0x4  }
0xbb: {  	v56 =	vshrl.u32 v3, $0x3  }
0xbc: {  	v4 =	vmul.u32 $0x30, v56  }
0xbd: {  	v3 =	vand.u32 $0x7, v3  }
0xbe: {  	v3 =	vor.u32 v3, v4  }
0xbf: {  	v4 =	vperm.xlane v3, v0;
	_ =	sdelay $0x1  }
0xc0: {  	v4 =	vadd.s32 v1, v4;
	_ =	sdelay $0x3  }
0xc1: {  	v3 =	vperm.xlane v3, v2  }
0xc2: {  	[hbm4b:s3+s2] =	stream.indirect_vreg.scatter [tilespmem:s0], [sflag:$0x1], $0x80, v4, vm0, $0xb8;
	[tilespmem:$0x18080] =	vst v63  }
0xc3: {  	v3 =	vadd.s32 v1, v3  }
0xc4: {  	[hbm4b:s5+s2] =	stream.indirect_vreg.scatter [tilespmem:s12], [sflag:$0x1], $0x80, v4, vm0, $0xb8;
	[tilespmem:$0x18080] =	vst v63  }
0xc5: {  	_ = 	snop  }
0xc6: {  	[hbm4b:s6+s2] =	stream.indirect_vreg.scatter [tilespmem:s13], [sflag:$0x1], $0x80, v4, vm0, $0xb8;
	[tilespmem:$0x18080] =	vst v63  }
0xc7: {  	_ = 	snop  }
0xc8: {  	[hbm4b:s3+s2] =	stream.indirect_vreg.scatter [tilespmem:s14], [sflag:$0x1], $0x80, v3, vm0, $0xb8;
	[tilespmem:$0x18080] =	vst v63  }
0xc9: {  	_ = 	snop  }
0xca: {  	[hbm4b:s5+s2] =	stream.indirect_vreg.scatter [tilespmem:s15], [sflag:$0x1], $0x80, v3, vm0, $0xb8;
	[tilespmem:$0x18080] =	vst v63  }
0xcb: {  	_ = 	snop  }
0xcc: {  	[hbm4b:s6+s2] =	stream.indirect_vreg.scatter [tilespmem:s4], [sflag:$0x1], $0x80, v3, vm0, $0xb8;
	[tilespmem:$0x18080] =	vst v63  }
0xcd: {  	v3 =	vld [tilespmem:$0x10];
	_ =	sdelay $0x4  }
0xce: {  	v57 =	vshrl.u32 v3, $0x3  }
0xcf: {  	v4 =	vmul.u32 $0x30, v57  }
0xd0: {  	v3 =	vand.u32 $0x7, v3  }
0xd1: {  	v3 =	vor.u32 v3, v4  }
0xd2: {  	v4 =	vperm.xlane v3, v0;
	_ =	sdelay $0x1  }
0xd3: {  	v4 =	vadd.s32 v1, v4;
	_ =	sdelay $0x3  }
0xd4: {  	v3 =	vperm.xlane v3, v2  }
0xd5: {  	[hbm4b:s3+s2] =	stream.indirect_vreg.scatter [tilespmem:s16], [sflag:$0x1], $0x80, v4, vm0, $0xb8;
	[tilespmem:$0x18080] =	vst v63  }
0xd6: {  	v3 =	vadd.s32 v1, v3  }
0xd7: {  	[hbm4b:s5+s2] =	stream.indirect_vreg.scatter [tilespmem:s17], [sflag:$0x1], $0x80, v4, vm0, $0xb8;
	[tilespmem:$0x18080] =	vst v63  }
0xd8: {  	_ = 	snop  }
0xd9: {  	[hbm4b:s6+s2] =	stream.indirect_vreg.scatter [tilespmem:s18], [sflag:$0x1], $0x80, v4, vm0, $0xb8;
	[tilespmem:$0x18080] =	vst v63  }
0xda: {  	_ = 	snop  }
0xdb: {  	[hbm4b:s3+s2] =	stream.indirect_vreg.scatter [tilespmem:s19], [sflag:$0x1], $0x80, v3, vm0, $0xb8;
	[tilespmem:$0x18080] =	vst v63  }
0xdc: {  	_ = 	snop  }
0xdd: {  	[hbm4b:s5+s2] =	stream.indirect_vreg.scatter [tilespmem:s20], [sflag:$0x1], $0x80, v3, vm0, $0xb8;
	[tilespmem:$0x18080] =	vst v63  }
0xde: {  	_ = 	snop  }
0xdf: {  	[hbm4b:s6+s2] =	stream.indirect_vreg.scatter [tilespmem:s21], [sflag:$0x1], $0x80, v3, vm0, $0xb8;
	[tilespmem:$0x18080] =	vst v63  }
0xe0: {  	v3 =	vld [tilespmem:$0x20];
	_ =	sdelay $0x4  }
0xe1: {  	v58 =	vshrl.u32 v3, $0x3  }
0xe2: {  	v4 =	vmul.u32 $0x30, v58  }
0xe3: {  	v3 =	vand.u32 $0x7, v3  }
0xe4: {  	v3 =	vor.u32 v3, v4  }
0xe5: {  	v4 =	vperm.xlane v3, v0;
	_ =	sdelay $0x1  }
0xe6: {  	v4 =	vadd.s32 v1, v4;
	_ =	sdelay $0x3  }
0xe7: {  	v3 =	vperm.xlane v3, v2  }
0xe8: {  	[hbm4b:s3+s2] =	stream.indirect_vreg.scatter [tilespmem:s22], [sflag:$0x1], $0x80, v4, vm0, $0xb8;
	[tilespmem:$0x18080] =	vst v63  }
0xe9: {  	v3 =	vadd.s32 v1, v3  }
0xea: {  	[hbm4b:s5+s2] =	stream.indirect_vreg.scatter [tilespmem:s23], [sflag:$0x1], $0x80, v4, vm0, $0xb8;
	[tilespmem:$0x18080] =	vst v63  }
0xeb: {  	_ = 	snop  }
0xec: {  	[hbm4b:s6+s2] =	stream.indirect_vreg.scatter [tilespmem:s24], [sflag:$0x1], $0x80, v4, vm0, $0xb8;
	[tilespmem:$0x18080] =	vst v63  }
0xed: {  	_ = 	snop  }
0xee: {  	[hbm4b:s3+s2] =	stream.indirect_vreg.scatter [tilespmem:s25], [sflag:$0x1], $0x80, v3, vm0, $0xb8;
	[tilespmem:$0x18080] =	vst v63  }
0xef: {  	_ = 	snop  }
0xf0: {  	[hbm4b:s5+s2] =	stream.indirect_vreg.scatter [tilespmem:s26], [sflag:$0x1], $0x80, v3, vm0, $0xb8;
	[tilespmem:$0x18080] =	vst v63  }
0xf1: {  	_ = 	snop  }
0xf2: {  	[hbm4b:s6+s2] =	stream.indirect_vreg.scatter [tilespmem:s28], [sflag:$0x1], $0x80, v3, vm0, $0xb8;
	[tilespmem:$0x18080] =	vst v63  }
0xf3: {  	v3 =	vld [tilespmem:$0x30];
	_ =	sdelay $0x4  }
0xf4: {  	v59 =	vshrl.u32 v3, $0x3  }
0xf5: {  	v4 =	vmul.u32 $0x30, v59  }
0xf6: {  	v3 =	vand.u32 $0x7, v3  }
0xf7: {  	v3 =	vor.u32 v3, v4  }
0xf8: {  	v4 =	vperm.xlane v3, v0;
	_ =	sdelay $0x1  }
0xf9: {  	v4 =	vadd.s32 v1, v4;
	_ =	sdelay $0x3  }
0xfa: {  	v3 =	vperm.xlane v3, v2  }
0xfb: {  	[hbm4b:s3+s2] =	stream.indirect_vreg.scatter [tilespmem:s29], [sflag:$0x1], $0x80, v4, vm0, $0xb8;
	[tilespmem:$0x18080] =	vst v63  }
0xfc: {  	v3 =	vadd.s32 v1, v3  }
0xfd: {  	[hbm4b:s5+s2] =	stream.indirect_vreg.scatter [tilespmem:s30], [sflag:$0x1], $0x80, v4, vm0, $0xb8;
	[tilespmem:$0x18080] =	vst v63  }
0xfe: {  	_ = 	snop  }
0xff: {  	[hbm4b:s6+s2] =	stream.indirect_vreg.scatter [tilespmem:s31], [sflag:$0x1], $0x80, v4, vm0, $0xb8;
	[tilespmem:$0x18080] =	vst v63  }
0x100: {  	_ = 	snop  }
0x101: {  	[hbm4b:s3+s2] =	stream.indirect_vreg.scatter [tilespmem:s1], [sflag:$0x1], $0x80, v3, vm0, $0xb8;
	[tilespmem:$0x18080] =	vst v63  }
0x102: {  	s11 =	simm.s32 $0xB080  }
0x103: {  	[hbm4b:s5+s2] =	stream.indirect_vreg.scatter [tilespmem:s11], [sflag:$0x1], $0x80, v3, vm0, $0xb8;
	[tilespmem:$0x18080] =	vst v63  }
0x104: {  	_ = 	snop  }
0x105: {  	[hbm4b:s6+s2] =	stream.indirect_vreg.scatter [tilespmem:s8], [sflag:$0x1], $0x80, v3, vm0, $0xb8;
	[tilespmem:$0x18080] =	vst v63  }
0x106: {  	v3 =	vld [tilespmem:$0x40];
	_ =	sdelay $0x4  }
0x107: {  	v60 =	vshrl.u32 v3, $0x3  }
0x108: {  	v4 =	vmul.u32 $0x30, v60  }
0x109: {  	v3 =	vand.u32 $0x7, v3  }
0x10a: {  	v3 =	vor.u32 v3, v4  }
0x10b: {  	v4 =	vperm.xlane v3, v0;
	_ =	sdelay $0x1  }
0x10c: {  	v4 =	vadd.s32 v1, v4;
	_ =	sdelay $0x3  }
0x10d: {  	s8 =	simm.s32 $0xC080;
	v3 =	vperm.xlane v3, v2  }
0x10e: {  	[hbm4b:s3+s2] =	stream.indirect_vreg.scatter [tilespmem:s8], [sflag:$0x1], $0x80, v4, vm0, $0xb8;
	[tilespmem:$0x18080] =	vst v63  }
0x10f: {  	s11 =	simm.s32 $0xC880;
	v3 =	vadd.s32 v1, v3  }
0x110: {  	[hbm4b:s5+s2] =	stream.indirect_vreg.scatter [tilespmem:s11], [sflag:$0x1], $0x80, v4, vm0, $0xb8;
	[tilespmem:$0x18080] =	vst v63  }
0x111: {  	s8 =	simm.s32 $0xD080  }
0x112: {  	[hbm4b:s6+s2] =	stream.indirect_vreg.scatter [tilespmem:s8], [sflag:$0x1], $0x80, v4, vm0, $0xb8;
	[tilespmem:$0x18080] =	vst v63  }
0x113: {  	s11 =	simm.s32 $0xD880  }
0x114: {  	[hbm4b:s3+s2] =	stream.indirect_vreg.scatter [tilespmem:s11], [sflag:$0x1], $0x80, v3, vm0, $0xb8;
	[tilespmem:$0x18080] =	vst v63  }
0x115: {  	s8 =	simm.s32 $0xE080  }
0x116: {  	[hbm4b:s5+s2] =	stream.indirect_vreg.scatter [tilespmem:s8], [sflag:$0x1], $0x80, v3, vm0, $0xb8;
	[tilespmem:$0x18080] =	vst v63  }
0x117: {  	s11 =	simm.s32 $0xE880  }
0x118: {  	[hbm4b:s6+s2] =	stream.indirect_vreg.scatter [tilespmem:s11], [sflag:$0x1], $0x80, v3, vm0, $0xb8;
	[tilespmem:$0x18080] =	vst v63  }
0x119: {  	v3 =	vld [tilespmem:$0x50];
	_ =	sdelay $0x4  }
0x11a: {  	v61 =	vshrl.u32 v3, $0x3  }
0x11b: {  	v4 =	vmul.u32 $0x30, v61  }
0x11c: {  	v3 =	vand.u32 $0x7, v3  }
0x11d: {  	v3 =	vor.u32 v3, v4  }
0x11e: {  	v4 =	vperm.xlane v3, v0;
	_ =	sdelay $0x1  }
0x11f: {  	v4 =	vadd.s32 v1, v4;
	_ =	sdelay $0x3  }
0x120: {  	s8 =	simm.s32 $0xF080;
	v3 =	vperm.xlane v3, v2  }
0x121: {  	[hbm4b:s3+s2] =	stream.indirect_vreg.scatter [tilespmem:s8], [sflag:$0x1], $0x80, v4, vm0, $0xb8;
	[tilespmem:$0x18080] =	vst v63  }
0x122: {  	s11 =	simm.s32 $0xF880;
	v3 =	vadd.s32 v1, v3  }
0x123: {  	[hbm4b:s5+s2] =	stream.indirect_vreg.scatter [tilespmem:s11], [sflag:$0x1], $0x80, v4, vm0, $0xb8;
	[tilespmem:$0x18080] =	vst v63  }
0x124: {  	s8 =	simm.s32 $0x10080  }
0x125: {  	[hbm4b:s6+s2] =	stream.indirect_vreg.scatter [tilespmem:s8], [sflag:$0x1], $0x80, v4, vm0, $0xb8;
	[tilespmem:$0x18080] =	vst v63  }
0x126: {  	s11 =	simm.s32 $0x10880  }
0x127: {  	[hbm4b:s3+s2] =	stream.indirect_vreg.scatter [tilespmem:s11], [sflag:$0x1], $0x80, v3, vm0, $0xb8;
	[tilespmem:$0x18080] =	vst v63  }
0x128: {  	s8 =	simm.s32 $0x11080  }
0x129: {  	[hbm4b:s5+s2] =	stream.indirect_vreg.scatter [tilespmem:s8], [sflag:$0x1], $0x80, v3, vm0, $0xb8;
	[tilespmem:$0x18080] =	vst v63  }
0x12a: {  	s11 =	simm.s32 $0x11880  }
0x12b: {  	[hbm4b:s6+s2] =	stream.indirect_vreg.scatter [tilespmem:s11], [sflag:$0x1], $0x80, v3, vm0, $0xb8;
	[tilespmem:$0x18080] =	vst v63  }
0x12c: {  	v3 =	vld [tilespmem:$0x60];
	_ =	sdelay $0x4  }
0x12d: {  	v62 =	vshrl.u32 v3, $0x3  }
0x12e: {  	v4 =	vmul.u32 $0x30, v62  }
0x12f: {  	v3 =	vand.u32 $0x7, v3  }
0x130: {  	v3 =	vor.u32 v3, v4  }
0x131: {  	v4 =	vperm.xlane v3, v0;
	_ =	sdelay $0x1  }
0x132: {  	v4 =	vadd.s32 v1, v4;
	_ =	sdelay $0x3  }
0x133: {  	s8 =	simm.s32 $0x12080;
	v3 =	vperm.xlane v3, v2  }
0x134: {  	[hbm4b:s3+s2] =	stream.indirect_vreg.scatter [tilespmem:s8], [sflag:$0x1], $0x80, v4, vm0, $0xb8;
	[tilespmem:$0x18080] =	vst v63  }
0x135: {  	s11 =	simm.s32 $0x12880;
	v3 =	vadd.s32 v1, v3  }
0x136: {  	[hbm4b:s5+s2] =	stream.indirect_vreg.scatter [tilespmem:s11], [sflag:$0x1], $0x80, v4, vm0, $0xb8;
	[tilespmem:$0x18080] =	vst v63  }
0x137: {  	s8 =	simm.s32 $0x13080  }
0x138: {  	[hbm4b:s6+s2] =	stream.indirect_vreg.scatter [tilespmem:s8], [sflag:$0x1], $0x80, v4, vm0, $0xb8;
	[tilespmem:$0x18080] =	vst v63  }
0x139: {  	s11 =	simm.s32 $0x13880  }
0x13a: {  	[hbm4b:s3+s2] =	stream.indirect_vreg.scatter [tilespmem:s11], [sflag:$0x1], $0x80, v3, vm0, $0xb8;
	[tilespmem:$0x18080] =	vst v63  }
0x13b: {  	s8 =	simm.s32 $0x14080  }
0x13c: {  	[hbm4b:s5+s2] =	stream.indirect_vreg.scatter [tilespmem:s8], [sflag:$0x1], $0x80, v3, vm0, $0xb8;
	[tilespmem:$0x18080] =	vst v63  }
0x13d: {  	s11 =	simm.s32 $0x14880  }
0x13e: {  	[hbm4b:s6+s2] =	stream.indirect_vreg.scatter [tilespmem:s11], [sflag:$0x1], $0x80, v3, vm0, $0xb8;
	[tilespmem:$0x18080] =	vst v63  }
0x13f: {  	v3 =	vld [tilespmem:$0x70];
	_ =	sdelay $0x4  }
0x140: {  	v63 =	vshrl.u32 v3, $0x3  }
0x141: {  	v4 =	vmul.u32 $0x30, v63  }
0x142: {  	v3 =	vand.u32 $0x7, v3  }
0x143: {  	v3 =	vor.u32 v3, v4  }
0x144: {  	v4 =	vperm.xlane v3, v0;
	_ =	sdelay $0x1  }
0x145: {  	v4 =	vadd.s32 v1, v4;
	_ =	sdelay $0x3  }
0x146: {  	s8 =	simm.s32 $0x15080;
	v3 =	vperm.xlane v3, v2  }
0x147: {  	[hbm4b:s3+s2] =	stream.indirect_vreg.scatter [tilespmem:s8], [sflag:$0x1], $0x80, v4, vm0, $0xb8;
	[tilespmem:$0x18080] =	vst v63  }
0x148: {  	s11 =	simm.s32 $0x15880;
	v3 =	vadd.s32 v1, v3  }
0x149: {  	[hbm4b:s5+s2] =	stream.indirect_vreg.scatter [tilespmem:s11], [sflag:$0x1], $0x80, v4, vm0, $0xb8;
	[tilespmem:$0x18080] =	vst v63  }
0x14a: {  	s8 =	simm.s32 $0x16080  }
0x14b: {  	[hbm4b:s6+s2] =	stream.indirect_vreg.scatter [tilespmem:s8], [sflag:$0x1], $0x80, v4, vm0, $0xb8;
	[tilespmem:$0x18080] =	vst v63  }
0x14c: {  	s11 =	simm.s32 $0x16880  }
0x14d: {  	[hbm4b:s3+s2] =	stream.indirect_vreg.scatter [tilespmem:s11], [sflag:$0x1], $0x80, v3, vm0, $0xb8;
	[tilespmem:$0x18080] =	vst v63  }
0x14e: {  	p0 =	sne.s32 s7, $0x1;
	s8 =	simm.s32 $0x17080  }
0x14f: {  	[hbm4b:s5+s2] =	stream.indirect_vreg.scatter [tilespmem:s8], [sflag:$0x1], $0x80, v3, vm0, $0xb8;
	[tilespmem:$0x18080] =	vst v63  }
.Ltmp0:
0x150: {  	s11 =	simm.s32 $0x17880;
	(pc) =	sbr.rel @p0 .LBB2_1-.Ltmp0, $4  }
0x151: {  	[hbm4b:s6+s2] =	stream.indirect_vreg.scatter [tilespmem:s11], [sflag:$0x1], $0x80, v3, vm0, $0xb8;
	[tilespmem:$0x18080] =	vst v63  }
0x152: {  	_ =	swait.ge [sflag:s10], $0x18000  }
0x153: {  	[sflag:s10] =	ssyncset.done $0x0  }
0x154: {  	s7 =	sadd.s32 $0xFFFFFFFF, s7;
	[sflag:s10] =	ssyncadd.s32 $0xFFFE8000  }
0x155: {  	_ =	sfence.sel $0x180000  }
0x156: {  	[bflag:$0x0] =	sbarrier.arrive $0xFFFF  }
0x157: {  	_ =	strace $0x90000047  }
0x158: {  	s0 =	stileid.u32;
	[bflag:$0x2] =	sbarrier.arrive $0xFFFF  }
0x159: {  	p0 =	sne.s32 s0, $0x0;
	s0 =	rddreg [dreg:$0x2]  }
0x15a: {  	s0 =	sadd.s32 @!p0 $0x100000, s0  }
0x15b: {  	[sflag:s0] =	ssyncadd.tile.s32 @!p0 $0x1;
	_ =	shalt  }
.Lfunc_end2:
_tile_overlayer_lowered:
.L_overlay_start_2:
0x15c: {  	(tag) =	ssettag $0x2  }
0x15d: {  	s0 =	rddreg [dreg:$0x0];
	s2 =	stileid.u32  }
0x15e: {  	s1 =	rddreg [dreg:$0x1];
	p0 =	sne.s32 s2, $0x0  }
0x15f: {  	s3 =	rddreg [dreg:$0x2];
	[bflag:$0x3] =	sbarrier.arrive $0xFFFF;
	s2 =	simm.s32 @!p0 $0x1C02  }
0x160: {  	[timem:s3], [sflag:s2] =	dma.local @!p0 [hbm:s0], s1  }
0x161: {  	s0 =	simm.s32 @!p0 $0x2  }
0x162: {  	_ =	swait.ge @!p0 [sflag:s0], s1  }
0x163: {  	s1 =	ssub.s32 @!p0 $0x0, s1;
	[sflag:s0] =	ssyncset.done @!p0 $0x0  }
0x164: {  	[sflag:s0] =	ssyncadd.s32 @!p0 s1  }
0x165: {  	[bflag:$0x3] =	sbarrier.arrive $0xFFFF  }
0x166: {  	_ =	shalt  }

</sc_bundles>
